<compile_context>
chip_gen: v7x
topology: tpu7x:2x2x1
jax: 0.10.2.dev20260603
libtpu: 0.0.44.dev20260713+nightly
codegen_flags: <defaults>
</compile_context>

<pallas_src>
import functools

import jax
import jax.numpy as jnp
from jax import lax
from jax.experimental import pallas as pl
from jax.experimental.pallas import tpu as pltpu
from jax.experimental.pallas import tpu_sc as plsc

N_NODES = 10000
N_EDGES = 320000
K_HOPS = 3

NPAD = 10240
NS = 16
SLICE = NPAD // NS
SL16 = SLICE // 16
E_T = N_EDGES // NS
ROWS_T = 160
E_TP = ROWS_T * 128
LAG = 32


def _matvec_body(x_ref, w_ref, o_ref):
    o_ref[...] = lax.dot_general(
        x_ref[...], w_ref[...],
        (((1,), (1,)), ((), ())),
        preferred_element_type=jnp.float32,
    )


def _project(x, W):
    return pl.pallas_call(
        _matvec_body,
        out_shape=jax.ShapeDtypeStruct((N_NODES, 1), jnp.float32),
    )(x, W)


def _rsqrt16(d):
    i = lax.bitcast_convert_type(d, jnp.int32)
    i = jnp.int32(0x5F3759DF) - lax.shift_right_logical(i, 1)
    y = lax.bitcast_convert_type(i, jnp.float32)
    half_d = 0.5 * d
    for _ in range(3):
        y = y * (1.5 - half_d * y * y)
    return y


def _sc_body(y0_hbm, src_hbm, dst_hbm, out_hbm,
             sidx, didx, vals_v, own_v, dis_own, ones_v,
             stat, z_a, z_b, sem_g, sem_s):
    s = lax.axis_index("s")
    c = lax.axis_index("c")
    ones16 = jnp.ones((16,), jnp.float32)
    own = pl.ds(s * SLICE, SLICE)
    nrows = ROWS_T

    ld = [
        pltpu.async_copy(src_hbm.at[pl.ds(s * ROWS_T, ROWS_T)], sidx, sem_g),
        pltpu.async_copy(dst_hbm.at[pl.ds(s * ROWS_T, ROWS_T)], didx, sem_g),
    ]

    def chunk(j):
        return vals_v.at[pl.ds(j * 128, 128)]

    for i in range(8):
        ones_v[pl.ds(i * 16, 16)] = ones16

    def obody(i, _):
        own_v[pl.ds(i * 16, 16)] = ones16
        return ()

    lax.fori_loop(0, SL16, obody, ())
    pltpu.sync_copy(own_v, stat.at[own])
    for d in ld:
        d.wait()
    plsc.subcore_barrier()

    def deg_body(j, _):
        pltpu.async_copy(ones_v, stat.at[didx.at[j]], sem_s, add=True)

        @pl.when(j >= LAG)
        def _():
            pltpu.make_async_copy(
                ones_v, stat.at[didx.at[j - LAG]], sem_s).wait()
        return ()

    lax.fori_loop(0, nrows, deg_body, ())

    def deg_drain(j, _):
        pltpu.make_async_copy(ones_v, stat.at[didx.at[j]], sem_s).wait()
        return ()

    lax.fori_loop(nrows - LAG, nrows, deg_drain, ())
    plsc.subcore_barrier()

    pltpu.sync_copy(stat.at[own], own_v)

    def dis_body(i, _):
        dis_own[pl.ds(i * 16, 16)] = _rsqrt16(own_v[pl.ds(i * 16, 16)])
        return ()

    lax.fori_loop(0, SL16, dis_body, ())
    pltpu.sync_copy(y0_hbm.at[own], own_v)

    def z0_body(i, _):
        ix = pl.ds(i * 16, 16)
        own_v[ix] = own_v[ix] * dis_own[ix]
        return ()

    lax.fori_loop(0, SL16, z0_body, ())

    zc, zn = z_a, z_b
    pltpu.sync_copy(own_v, zc.at[own])
    for hop in range(K_HOPS):
        pltpu.sync_copy(own_v, zn.at[own])
        plsc.subcore_barrier()

        def hop_body(j, _):
            pltpu.async_copy(zc.at[sidx.at[j]], chunk(j), sem_g)

            @pl.when(j >= LAG)
            def _():
                jg = j - LAG
                pltpu.make_async_copy(
                    zc.at[sidx.at[jg]], chunk(jg), sem_g).wait()
                pltpu.async_copy(chunk(jg), zn.at[didx.at[jg]], sem_s,
                                 add=True)

            @pl.when(j >= 2 * LAG)
            def _():
                js = j - 2 * LAG
                pltpu.make_async_copy(
                    chunk(js), zn.at[didx.at[js]], sem_s).wait()
            return ()

        lax.fori_loop(0, nrows, hop_body, ())

        def hop_tail(j, _):
            pltpu.make_async_copy(zc.at[sidx.at[j]], chunk(j), sem_g).wait()
            pltpu.async_copy(chunk(j), zn.at[didx.at[j]], sem_s, add=True)
            return ()

        lax.fori_loop(nrows - LAG, nrows, hop_tail, ())

        def hop_drain(j, _):
            pltpu.make_async_copy(chunk(j), zn.at[didx.at[j]], sem_s).wait()
            return ()

        lax.fori_loop(nrows - 2 * LAG, nrows, hop_drain, ())
        plsc.subcore_barrier()

        pltpu.sync_copy(zn.at[own], own_v)
        last = hop == K_HOPS - 1

        def tr_body(i, _):
            ix = pl.ds(i * 16, 16)
            d = dis_own[ix]
            v = own_v[ix] * d
            own_v[ix] = v if last else v * d
            return ()

        lax.fori_loop(0, SL16, tr_body, ())
        if not last:
            pltpu.sync_copy(own_v, zn.at[own])
        zc, zn = zn, zc

    @pl.when(c == 0)
    def _():
        pltpu.sync_copy(own_v, out_hbm.at[own])


@functools.partial(
    pl.kernel,
    out_type=jax.ShapeDtypeStruct((NPAD,), jnp.float32),
    mesh=plsc.VectorSubcoreMesh(core_axis_name="c", subcore_axis_name="s"),
    scratch_types=[
        pltpu.VMEM((ROWS_T, 128), jnp.int32),
        pltpu.VMEM((ROWS_T, 128), jnp.int32),
        pltpu.VMEM((E_TP,), jnp.float32),
        pltpu.VMEM((SLICE,), jnp.float32),
        pltpu.VMEM((SLICE,), jnp.float32),
        pltpu.VMEM((128,), jnp.float32),
        pltpu.VMEM_SHARED((NPAD,), jnp.float32),
        pltpu.VMEM_SHARED((NPAD,), jnp.float32),
        pltpu.VMEM_SHARED((NPAD,), jnp.float32),
        pltpu.SemaphoreType.DMA,
        pltpu.SemaphoreType.DMA,
    ],
)
def _sc_propagate(y0_hbm, src_hbm, dst_hbm, out_hbm, *scratch):
    _sc_body(y0_hbm, src_hbm, dst_hbm, out_hbm, *scratch)


def _pad_edges(e):
    e = e.reshape(NS, E_T)
    pad = jnp.full((NS, E_TP - E_T), NPAD - 1, jnp.int32)
    return jnp.concatenate([e, pad], axis=1).reshape(NS * ROWS_T, 128)


def kernel(x, edge_index, W, b):
    y0 = _project(x, W)[:, 0]
    y0p = jnp.zeros((NPAD,), jnp.float32).at[:N_NODES].set(y0)
    src = _pad_edges(edge_index[0].astype(jnp.int32))
    dst = _pad_edges(edge_index[1].astype(jnp.int32))
    h = _sc_propagate(y0p, src, dst)
    return h[:N_NODES, None] + b

# --- scband reference (transcript-rebuilt; emitter-appended) ---
"""Pipeline reference for scband-net-32762010534229 (READ-ONLY COPY).

The authoritative reference and input builder live on the scoring server;
editing this copy changes nothing except your own understanding.
"""

import jax, jax.numpy as jnp
import numpy as np

N_NODES = 10000
N_EDGES = 320000
D_FEAT = 128
K = 3


def setup_inputs(seed: int = 0) -> dict:
    key = jax.random.key(seed)
    k1, k2, k3, k4 = jax.random.split(key, 4)
    x = jax.random.normal(k1, (N_NODES, D_FEAT), dtype=jnp.float32)
    edge_index = jax.random.randint(k2, (2, N_EDGES), 0, N_NODES, dtype=jnp.int64)
    # SGConv linear layer: in_channels=128 -> out_channels=1
    W = jax.random.normal(k3, (1, D_FEAT), dtype=jnp.float32) * (1.0 / np.sqrt(D_FEAT))
    b = jnp.zeros((1,), dtype=jnp.float32)
    return {"x": x, "edge_index": edge_index, "W": W, "b": b}


def reference(x, edge_index, W, b):
    N = x.shape[0]
    src = edge_index[0]
    dst = edge_index[1]
    # add self-loops (A' = A + I)
    loop = jnp.arange(N, dtype=src.dtype)
    src = jnp.concatenate([src, loop], axis=0)
    dst = jnp.concatenate([dst, loop], axis=0)
    # gcn_norm: D'^(-1/2) A' D'^(-1/2)
    ones = jnp.ones(src.shape[0], dtype=x.dtype)
    deg = jnp.zeros((N,), dtype=x.dtype).at[dst].add(ones)
    deg_inv_sqrt = jnp.where(deg > 0, deg ** -0.5, 0.0)
    norm = deg_inv_sqrt[src] * deg_inv_sqrt[dst]
    # K propagation steps: x <- norm-weighted scatter-add of gathered neighbors
    h = x
    for _ in range(K):
        msgs = norm[:, None] * jnp.take(h, src, axis=0)
        h = jnp.zeros_like(h).at[dst].add(msgs)
    # final linear projection
    out = h @ W.T + b
    return out

if __name__ == "__main__":
    import jax
    _d = setup_inputs()
    print(jax.jit(kernel)(*tuple(_d.values())))

</pallas_src>

<mosaic_0001>
#map = affine_map<(d0, d1) -> (0)>
#map1 = affine_map<(d0, d1) -> (0, 0)>
module attributes {stable_mosaic.version = 14 : i64} {
  func.func @_sc_propagate(%arg0: i32, %arg1: i32, %arg2: memref<10240xf32, #tpu.memory_space<hbm>>, %arg3: memref<2560x128xi32, #tpu.memory_space<hbm>>, %arg4: memref<2560x128xi32, #tpu.memory_space<hbm>>, %arg5: memref<10240xf32, #tpu.memory_space<hbm>>, %arg6: memref<160x128xi32, #tpu.memory_space<vmem>>, %arg7: memref<160x128xi32, #tpu.memory_space<vmem>>, %arg8: memref<20480xf32, #tpu.memory_space<vmem>>, %arg9: memref<640xf32, #tpu.memory_space<vmem>>, %arg10: memref<640xf32, #tpu.memory_space<vmem>>, %arg11: memref<128xf32, #tpu.memory_space<vmem>>, %arg12: memref<10240xf32, #tpu.memory_space<vmem_shared>>, %arg13: memref<10240xf32, #tpu.memory_space<vmem_shared>>, %arg14: memref<10240xf32, #tpu.memory_space<vmem_shared>>, %arg15: memref<!tpu.dma_semaphore, #tpu.memory_space<semaphore_mem>>, %arg16: memref<!tpu.dma_semaphore, #tpu.memory_space<semaphore_mem>>) attributes {dimension_semantics = [#tpu.dimension_semantics<core_parallel>, #tpu.dimension_semantics<subcore_parallel>], iteration_bounds = array<i64: 2, 16>, scalar_prefetch = 0 : i64, scratch_operands = 11 : i64, tpu.core_type = #tpu.core_type<sc_vector_subcore>, window_params = [{transform_indices = #map}, {transform_indices = #map1}, {transform_indices = #map1}, {transform_indices = #map}]} {
    %broadcast_in_dim3A = arith.constant 1.000000e+00 : f32
    %broadcast_in_dim3A_0 = vector.broadcast %broadcast_in_dim3A : f32 to vector<16xf32>
    %mul3A = arith.constant 640 : i32
    %mul3A_1 = arith.muli %arg1, %mul3A : i32
    %mul3A_2 = arith.constant 160 : i32
    %mul3A_3 = arith.muli %arg1, %mul3A_2 : i32
    %dma_start3A = arith.constant 0 : i32
    %dma_start3A_4 = tpu.memref_slice %arg3[%mul3A_3, %dma_start3A] : memref<2560x128xi32, #tpu.memory_space<hbm>> -> memref<160x128xi32, #tpu.memory_space<hbm>>
    %dma_start3A_5 = arith.constant 0 : i32
    %dma_start3A_6 = tpu.memref_slice %arg3[%mul3A_3, %dma_start3A_5] : memref<2560x128xi32, #tpu.memory_space<hbm>> -> memref<160x128xi32, #tpu.memory_space<hbm>>
    tpu.enqueue_dma source(%dma_start3A_6 : memref<160x128xi32, #tpu.memory_space<hbm>>) target(%arg6 : memref<160x128xi32, #tpu.memory_space<vmem>>) target_semaphore(%arg15 : memref<!tpu.dma_semaphore, #tpu.memory_space<semaphore_mem>>)
    %mul3A_7 = arith.constant 160 : i32
    %mul3A_8 = arith.muli %arg1, %mul3A_7 : i32
    %dma_start3A_9 = arith.constant 0 : i32
    %dma_start3A_10 = tpu.memref_slice %arg4[%mul3A_8, %dma_start3A_9] : memref<2560x128xi32, #tpu.memory_space<hbm>> -> memref<160x128xi32, #tpu.memory_space<hbm>>
    %dma_start3A_11 = arith.constant 0 : i32
    %dma_start3A_12 = tpu.memref_slice %arg4[%mul3A_8, %dma_start3A_11] : memref<2560x128xi32, #tpu.memory_space<hbm>> -> memref<160x128xi32, #tpu.memory_space<hbm>>
    tpu.enqueue_dma source(%dma_start3A_12 : memref<160x128xi32, #tpu.memory_space<hbm>>) target(%arg7 : memref<160x128xi32, #tpu.memory_space<vmem>>) target_semaphore(%arg15 : memref<!tpu.dma_semaphore, #tpu.memory_space<semaphore_mem>>)
    %swap3A = arith.constant 0 : index
    %swap3A_13 = tpu.vector_load %arg11[%swap3A] {strides = array<i32>} : memref<128xf32, #tpu.memory_space<vmem>>, vector<16xf32>,
    %swap3A_14 = vector.shape_cast %swap3A_13 : vector<16xf32> to vector<16xf32>
    %swap3A_15 = vector.shape_cast %broadcast_in_dim3A_0 : vector<16xf32> to vector<16xf32>
    tpu.vector_store %arg11[%swap3A], %swap3A_15 {strides = array<i32>} : memref<128xf32, #tpu.memory_space<vmem>>, vector<16xf32>,
    %swap3A_16 = arith.constant 16 : index
    %swap3A_17 = tpu.vector_load %arg11[%swap3A_16] {strides = array<i32>} : memref<128xf32, #tpu.memory_space<vmem>>, vector<16xf32>,
    %swap3A_18 = vector.shape_cast %swap3A_17 : vector<16xf32> to vector<16xf32>
    %swap3A_19 = vector.shape_cast %broadcast_in_dim3A_0 : vector<16xf32> to vector<16xf32>
    tpu.vector_store %arg11[%swap3A_16], %swap3A_19 {strides = array<i32>} : memref<128xf32, #tpu.memory_space<vmem>>, vector<16xf32>,
    %swap3A_20 = arith.constant 32 : index
    %swap3A_21 = tpu.vector_load %arg11[%swap3A_20] {strides = array<i32>} : memref<128xf32, #tpu.memory_space<vmem>>, vector<16xf32>,
    %swap3A_22 = vector.shape_cast %swap3A_21 : vector<16xf32> to vector<16xf32>
    %swap3A_23 = vector.shape_cast %broadcast_in_dim3A_0 : vector<16xf32> to vector<16xf32>
    tpu.vector_store %arg11[%swap3A_20], %swap3A_23 {strides = array<i32>} : memref<128xf32, #tpu.memory_space<vmem>>, vector<16xf32>,
    %swap3A_24 = arith.constant 48 : index
    %swap3A_25 = tpu.vector_load %arg11[%swap3A_24] {strides = array<i32>} : memref<128xf32, #tpu.memory_space<vmem>>, vector<16xf32>,
    %swap3A_26 = vector.shape_cast %swap3A_25 : vector<16xf32> to vector<16xf32>
    %swap3A_27 = vector.shape_cast %broadcast_in_dim3A_0 : vector<16xf32> to vector<16xf32>
    tpu.vector_store %arg11[%swap3A_24], %swap3A_27 {strides = array<i32>} : memref<128xf32, #tpu.memory_space<vmem>>, vector<16xf32>,
    %swap3A_28 = arith.constant 64 : index
    %swap3A_29 = tpu.vector_load %arg11[%swap3A_28] {strides = array<i32>} : memref<128xf32, #tpu.memory_space<vmem>>, vector<16xf32>,
    %swap3A_30 = vector.shape_cast %swap3A_29 : vector<16xf32> to vector<16xf32>
    %swap3A_31 = vector.shape_cast %broadcast_in_dim3A_0 : vector<16xf32> to vector<16xf32>
    tpu.vector_store %arg11[%swap3A_28], %swap3A_31 {strides = array<i32>} : memref<128xf32, #tpu.memory_space<vmem>>, vector<16xf32>,
    %swap3A_32 = arith.constant 80 : index
    %swap3A_33 = tpu.vector_load %arg11[%swap3A_32] {strides = array<i32>} : memref<128xf32, #tpu.memory_space<vmem>>, vector<16xf32>,
    %swap3A_34 = vector.shape_cast %swap3A_33 : vector<16xf32> to vector<16xf32>
    %swap3A_35 = vector.shape_cast %broadcast_in_dim3A_0 : vector<16xf32> to vector<16xf32>
    tpu.vector_store %arg11[%swap3A_32], %swap3A_35 {strides = array<i32>} : memref<128xf32, #tpu.memory_space<vmem>>, vector<16xf32>,
    %swap3A_36 = arith.constant 96 : index
    %swap3A_37 = tpu.vector_load %arg11[%swap3A_36] {strides = array<i32>} : memref<128xf32, #tpu.memory_space<vmem>>, vector<16xf32>,
    %swap3A_38 = vector.shape_cast %swap3A_37 : vector<16xf32> to vector<16xf32>
    %swap3A_39 = vector.shape_cast %broadcast_in_dim3A_0 : vector<16xf32> to vector<16xf32>
    tpu.vector_store %arg11[%swap3A_36], %swap3A_39 {strides = array<i32>} : memref<128xf32, #tpu.memory_space<vmem>>, vector<16xf32>,
    %swap3A_40 = arith.constant 112 : index
    %swap3A_41 = tpu.vector_load %arg11[%swap3A_40] {strides = array<i32>} : memref<128xf32, #tpu.memory_space<vmem>>, vector<16xf32>,
    %swap3A_42 = vector.shape_cast %swap3A_41 : vector<16xf32> to vector<16xf32>
    %swap3A_43 = vector.shape_cast %broadcast_in_dim3A_0 : vector<16xf32> to vector<16xf32>
    tpu.vector_store %arg11[%swap3A_40], %swap3A_43 {strides = array<i32>} : memref<128xf32, #tpu.memory_space<vmem>>, vector<16xf32>,
    %scan3A = arith.constant 0 : i32
    %scan3A_44 = arith.constant 40 : i32
    %scan3A_45 = arith.addi %scan3A, %scan3A_44 : i32
    %scan3A_46 = arith.constant 1 : i32
    scf.for %scan3A_144 = %scan3A to %scan3A_45 step %scan3A_46  : i32 {
      %mul3A_145 = arith.constant 16 : i32
      %mul3A_146 = arith.muli %scan3A_144, %mul3A_145 : i32
      %swap3A_147 = arith.index_cast %mul3A_146 : i32 to index
      %swap3A_148 = tpu.vector_load %arg9[%swap3A_147] {strides = array<i32>} : memref<640xf32, #tpu.memory_space<vmem>>, vector<16xf32>,
      %swap3A_149 = vector.shape_cast %swap3A_148 : vector<16xf32> to vector<16xf32>
      %swap3A_150 = vector.shape_cast %broadcast_in_dim3A_0 : vector<16xf32> to vector<16xf32>
      tpu.vector_store %arg9[%swap3A_147], %swap3A_150 {strides = array<i32>} : memref<640xf32, #tpu.memory_space<vmem>>, vector<16xf32>,
    }
    %scan3A_47 = arith.constant 40 : i32
    "tpu.region"() ({
      %run_scoped3A = tpu.sem_alloc : memref<!tpu.dma_semaphore, #tpu.memory_space<semaphore_mem>>
      %dma_start3A_144 = tpu.memref_slice %arg12[%mul3A_1] : memref<10240xf32, #tpu.memory_space<vmem_shared>> -> memref<640xf32, #tpu.memory_space<vmem_shared>>
      %dma_start3A_145 = tpu.memref_slice %arg12[%mul3A_1] : memref<10240xf32, #tpu.memory_space<vmem_shared>> -> memref<640xf32, #tpu.memory_space<vmem_shared>>
      tpu.enqueue_dma source(%arg9 : memref<640xf32, #tpu.memory_space<vmem>>) target(%dma_start3A_145 : memref<640xf32, #tpu.memory_space<vmem_shared>>) target_semaphore(%run_scoped3A : memref<!tpu.dma_semaphore, #tpu.memory_space<semaphore_mem>>)
      %dma_wait3A_146 = tpu.memref_slice %arg12[%mul3A_1] : memref<10240xf32, #tpu.memory_space<vmem_shared>> -> memref<640xf32, #tpu.memory_space<vmem_shared>>
      %dma_wait3A_147 = tpu.memref_slice %arg12[%mul3A_1] : memref<10240xf32, #tpu.memory_space<vmem_shared>> -> memref<640xf32, #tpu.memory_space<vmem_shared>>
      tpu.wait_dma2 semaphore(%run_scoped3A : memref<!tpu.dma_semaphore, #tpu.memory_space<semaphore_mem>>) src(%arg9 : memref<640xf32, #tpu.memory_space<vmem>>) dst(%dma_wait3A_147 : memref<640xf32, #tpu.memory_space<vmem_shared>>)
      tpu.yield
    }) : () -> ()
    %dma_wait3A = arith.constant 0 : i32
    %dma_wait3A_48 = tpu.memref_slice %arg3[%mul3A_3, %dma_wait3A] : memref<2560x128xi32, #tpu.memory_space<hbm>> -> memref<160x128xi32, #tpu.memory_space<hbm>>
    %dma_wait3A_49 = arith.constant 0 : i32
    %dma_wait3A_50 = tpu.memref_slice %arg3[%mul3A_3, %dma_wait3A_49] : memref<2560x128xi32, #tpu.memory_space<hbm>> -> memref<160x128xi32, #tpu.memory_space<hbm>>
    tpu.wait_dma2 semaphore(%arg15 : memref<!tpu.dma_semaphore, #tpu.memory_space<semaphore_mem>>) src(%dma_wait3A_50 : memref<160x128xi32, #tpu.memory_space<hbm>>) dst(%arg6 : memref<160x128xi32, #tpu.memory_space<vmem>>)
    %dma_wait3A_51 = arith.constant 0 : i32
    %dma_wait3A_52 = tpu.memref_slice %arg4[%mul3A_8, %dma_wait3A_51] : memref<2560x128xi32, #tpu.memory_space<hbm>> -> memref<160x128xi32, #tpu.memory_space<hbm>>
    %dma_wait3A_53 = arith.constant 0 : i32
    %dma_wait3A_54 = tpu.memref_slice %arg4[%mul3A_8, %dma_wait3A_53] : memref<2560x128xi32, #tpu.memory_space<hbm>> -> memref<160x128xi32, #tpu.memory_space<hbm>>
    tpu.wait_dma2 semaphore(%arg15 : memref<!tpu.dma_semaphore, #tpu.memory_space<semaphore_mem>>) src(%dma_wait3A_54 : memref<160x128xi32, #tpu.memory_space<hbm>>) dst(%arg7 : memref<160x128xi32, #tpu.memory_space<vmem>>)
    %barrier3A = arith.constant 0 : index
    tpu.barrier barrier_id(%barrier3A)
    %scan3A_55 = arith.constant 0 : i32
    %scan3A_56 = arith.constant 160 : i32
    %scan3A_57 = arith.addi %scan3A_55, %scan3A_56 : i32
    %scan3A_58 = arith.constant 1 : i32
    scf.for %scan3A_144 = %scan3A_55 to %scan3A_57 step %scan3A_58  : i32 {
      %dma_start3A_145 = arith.constant 0 : i32
      %dma_start3A_146 = tpu.memref_slice %arg7[%scan3A_144, %dma_start3A_145] : memref<160x128xi32, #tpu.memory_space<vmem>> -> memref<1x128xi32, #tpu.memory_space<vmem>>
      %dma_start3A_147 = tpu.memref_squeeze %dma_start3A_146 : memref<1x128xi32, #tpu.memory_space<vmem>> -> memref<128xi32, #tpu.memory_space<vmem>>
      %dma_start3A_148 = arith.constant 0 : i32
      %dma_start3A_149 = tpu.memref_slice %arg12[%dma_start3A_148] : memref<10240xf32, #tpu.memory_space<vmem_shared>> -> memref<10240xf32, #tpu.memory_space<vmem_shared>>
      tpu.enqueue_indirect_dma source(%arg11 : memref<128xf32, #tpu.memory_space<vmem>>) target(%dma_start3A_149 : memref<10240xf32, #tpu.memory_space<vmem_shared>>) offsets(%dma_start3A_147 : memref<128xi32, #tpu.memory_space<vmem>>) semaphore(%arg16 : memref<!tpu.dma_semaphore, #tpu.memory_space<semaphore_mem>>) {add = true}
      %ge3A = arith.constant 32 : i32
      %ge3A_150 = arith.cmpi sge, %scan3A_144, %ge3A : i32
      %convert_element_type3A_151 = arith.extui %ge3A_150 : i1 to i32
      %cond3A_152 = arith.constant 0 : i32
      %cond3A_153 = arith.cmpi ne, %convert_element_type3A_151, %cond3A_152 : i32
      scf.if %cond3A_153 {
        %sub3A = arith.constant 32 : i32
        %sub3A_154 = arith.subi %scan3A_144, %sub3A : i32
        %dma_wait3A_155 = arith.constant 0 : i32
        %dma_wait3A_156 = tpu.memref_slice %arg7[%sub3A_154, %dma_wait3A_155] : memref<160x128xi32, #tpu.memory_space<vmem>> -> memref<1x128xi32, #tpu.memory_space<vmem>>
        %dma_wait3A_157 = tpu.memref_squeeze %dma_wait3A_156 : memref<1x128xi32, #tpu.memory_space<vmem>> -> memref<128xi32, #tpu.memory_space<vmem>>
        %dma_wait3A_158 = arith.constant 0 : i32
        %dma_wait3A_159 = tpu.memref_slice %arg12[%dma_wait3A_158] : memref<10240xf32, #tpu.memory_space<vmem_shared>> -> memref<10240xf32, #tpu.memory_space<vmem_shared>>
        tpu.wait_indirect_dma semaphore(%arg16 : memref<!tpu.dma_semaphore, #tpu.memory_space<semaphore_mem>>) src(%arg11 : memref<128xf32, #tpu.memory_space<vmem>>) dst(%dma_wait3A_159 : memref<10240xf32, #tpu.memory_space<vmem_shared>>)
      } else {
      }
    }
    %scan3A_59 = arith.constant 160 : i32
    %scan3A_60 = arith.constant 128 : i32
    %scan3A_61 = arith.constant 32 : i32
    %scan3A_62 = arith.addi %scan3A_60, %scan3A_61 : i32
    %scan3A_63 = arith.constant 1 : i32
    scf.for %scan3A_144 = %scan3A_60 to %scan3A_62 step %scan3A_63  : i32 {
      %dma_wait3A_145 = arith.constant 0 : i32
      %dma_wait3A_146 = tpu.memref_slice %arg7[%scan3A_144, %dma_wait3A_145] : memref<160x128xi32, #tpu.memory_space<vmem>> -> memref<1x128xi32, #tpu.memory_space<vmem>>
      %dma_wait3A_147 = tpu.memref_squeeze %dma_wait3A_146 : memref<1x128xi32, #tpu.memory_space<vmem>> -> memref<128xi32, #tpu.memory_space<vmem>>
      %dma_wait3A_148 = arith.constant 0 : i32
      %dma_wait3A_149 = tpu.memref_slice %arg12[%dma_wait3A_148] : memref<10240xf32, #tpu.memory_space<vmem_shared>> -> memref<10240xf32, #tpu.memory_space<vmem_shared>>
      tpu.wait_indirect_dma semaphore(%arg16 : memref<!tpu.dma_semaphore, #tpu.memory_space<semaphore_mem>>) src(%arg11 : memref<128xf32, #tpu.memory_space<vmem>>) dst(%dma_wait3A_149 : memref<10240xf32, #tpu.memory_space<vmem_shared>>)
    }
    %scan3A_64 = arith.constant 32 : i32
    %barrier3A_65 = arith.constant 0 : index
    tpu.barrier barrier_id(%barrier3A_65)
    "tpu.region"() ({
      %run_scoped3A = tpu.sem_alloc : memref<!tpu.dma_semaphore, #tpu.memory_space<semaphore_mem>>
      %dma_start3A_144 = tpu.memref_slice %arg12[%mul3A_1] : memref<10240xf32, #tpu.memory_space<vmem_shared>> -> memref<640xf32, #tpu.memory_space<vmem_shared>>
      %dma_start3A_145 = tpu.memref_slice %arg12[%mul3A_1] : memref<10240xf32, #tpu.memory_space<vmem_shared>> -> memref<640xf32, #tpu.memory_space<vmem_shared>>
      tpu.enqueue_dma source(%dma_start3A_145 : memref<640xf32, #tpu.memory_space<vmem_shared>>) target(%arg9 : memref<640xf32, #tpu.memory_space<vmem>>) target_semaphore(%run_scoped3A : memref<!tpu.dma_semaphore, #tpu.memory_space<semaphore_mem>>)
      %dma_wait3A_146 = tpu.memref_slice %arg12[%mul3A_1] : memref<10240xf32, #tpu.memory_space<vmem_shared>> -> memref<640xf32, #tpu.memory_space<vmem_shared>>
      %dma_wait3A_147 = tpu.memref_slice %arg12[%mul3A_1] : memref<10240xf32, #tpu.memory_space<vmem_shared>> -> memref<640xf32, #tpu.memory_space<vmem_shared>>
      tpu.wait_dma2 semaphore(%run_scoped3A : memref<!tpu.dma_semaphore, #tpu.memory_space<semaphore_mem>>) src(%dma_wait3A_147 : memref<640xf32, #tpu.memory_space<vmem_shared>>) dst(%arg9 : memref<640xf32, #tpu.memory_space<vmem>>)
      tpu.yield
    }) : () -> ()
    %scan3A_66 = arith.constant 0 : i32
    %scan3A_67 = arith.constant 40 : i32
    %scan3A_68 = arith.addi %scan3A_66, %scan3A_67 : i32
    %scan3A_69 = arith.constant 1 : i32
    scf.for %scan3A_144 = %scan3A_66 to %scan3A_68 step %scan3A_69  : i32 {
      %mul3A_145 = arith.constant 16 : i32
      %mul3A_146 = arith.muli %scan3A_144, %mul3A_145 : i32
      %get3A = arith.index_cast %mul3A_146 : i32 to index
      %get3A_147 = tpu.vector_load %arg9[%get3A] {strides = array<i32>} : memref<640xf32, #tpu.memory_space<vmem>>, vector<16xf32>,
      %get3A_148 = vector.shape_cast %get3A_147 : vector<16xf32> to vector<16xf32>
      %bitcast_convert_type3A = tpu.bitcast %get3A_148 : vector<16xf32> -> vector<16xi32>
      %shift_right_logical3A = arith.constant 1 : i32
      %shift_right_logical3A_149 = vector.broadcast %shift_right_logical3A : i32 to vector<16xi32>
      %shift_right_logical3A_150 = arith.shrui %bitcast_convert_type3A, %shift_right_logical3A_149 : vector<16xi32>
      %sub3A = arith.constant 1597463007 : i32
      %sub3A_151 = vector.broadcast %sub3A : i32 to vector<16xi32>
      %sub3A_152 = arith.subi %sub3A_151, %shift_right_logical3A_150 : vector<16xi32>
      %bitcast_convert_type3A_153 = tpu.bitcast %sub3A_152 : vector<16xi32> -> vector<16xf32>
      %mul3A_154 = arith.constant 5.000000e-01 : f32
      %mul3A_155 = vector.broadcast %mul3A_154 : f32 to vector<16xf32>
      %mul3A_156 = arith.mulf %mul3A_155, %get3A_148 : vector<16xf32>
      %mul3A_157 = arith.mulf %mul3A_156, %bitcast_convert_type3A_153 : vector<16xf32>
      %mul3A_158 = arith.mulf %mul3A_157, %bitcast_convert_type3A_153 : vector<16xf32>
      %sub3A_159 = arith.constant 1.500000e+00 : f32
      %sub3A_160 = vector.broadcast %sub3A_159 : f32 to vector<16xf32>
      %sub3A_161 = arith.subf %sub3A_160, %mul3A_158 : vector<16xf32>
      %mul3A_162 = arith.mulf %bitcast_convert_type3A_153, %sub3A_161 : vector<16xf32>
      %mul3A_163 = arith.mulf %mul3A_156, %mul3A_162 : vector<16xf32>
      %mul3A_164 = arith.mulf %mul3A_163, %mul3A_162 : vector<16xf32>
      %sub3A_165 = arith.constant 1.500000e+00 : f32
      %sub3A_166 = vector.broadcast %sub3A_165 : f32 to vector<16xf32>
      %sub3A_167 = arith.subf %sub3A_166, %mul3A_164 : vector<16xf32>
      %mul3A_168 = arith.mulf %mul3A_162, %sub3A_167 : vector<16xf32>
      %mul3A_169 = arith.mulf %mul3A_156, %mul3A_168 : vector<16xf32>
      %mul3A_170 = arith.mulf %mul3A_169, %mul3A_168 : vector<16xf32>
      %sub3A_171 = arith.constant 1.500000e+00 : f32
      %sub3A_172 = vector.broadcast %sub3A_171 : f32 to vector<16xf32>
      %sub3A_173 = arith.subf %sub3A_172, %mul3A_170 : vector<16xf32>
      %mul3A_174 = arith.mulf %mul3A_168, %sub3A_173 : vector<16xf32>
      %mul3A_175 = arith.constant 16 : i32
      %mul3A_176 = arith.muli %scan3A_144, %mul3A_175 : i32
      %swap3A_177 = arith.index_cast %mul3A_176 : i32 to index
      %swap3A_178 = tpu.vector_load %arg10[%swap3A_177] {strides = array<i32>} : memref<640xf32, #tpu.memory_space<vmem>>, vector<16xf32>,
      %swap3A_179 = vector.shape_cast %swap3A_178 : vector<16xf32> to vector<16xf32>
      %swap3A_180 = vector.shape_cast %mul3A_174 : vector<16xf32> to vector<16xf32>
      tpu.vector_store %arg10[%swap3A_177], %swap3A_180 {strides = array<i32>} : memref<640xf32, #tpu.memory_space<vmem>>, vector<16xf32>,
    }
    %scan3A_70 = arith.constant 40 : i32
    "tpu.region"() ({
      %run_scoped3A = tpu.sem_alloc : memref<!tpu.dma_semaphore, #tpu.memory_space<semaphore_mem>>
      %dma_start3A_144 = tpu.memref_slice %arg2[%mul3A_1] : memref<10240xf32, #tpu.memory_space<hbm>> -> memref<640xf32, #tpu.memory_space<hbm>>
      %dma_start3A_145 = tpu.memref_slice %arg2[%mul3A_1] : memref<10240xf32, #tpu.memory_space<hbm>> -> memref<640xf32, #tpu.memory_space<hbm>>
      tpu.enqueue_dma source(%dma_start3A_145 : memref<640xf32, #tpu.memory_space<hbm>>) target(%arg9 : memref<640xf32, #tpu.memory_space<vmem>>) target_semaphore(%run_scoped3A : memref<!tpu.dma_semaphore, #tpu.memory_space<semaphore_mem>>)
      %dma_wait3A_146 = tpu.memref_slice %arg2[%mul3A_1] : memref<10240xf32, #tpu.memory_space<hbm>> -> memref<640xf32, #tpu.memory_space<hbm>>
      %dma_wait3A_147 = tpu.memref_slice %arg2[%mul3A_1] : memref<10240xf32, #tpu.memory_space<hbm>> -> memref<640xf32, #tpu.memory_space<hbm>>
      tpu.wait_dma2 semaphore(%run_scoped3A : memref<!tpu.dma_semaphore, #tpu.memory_space<semaphore_mem>>) src(%dma_wait3A_147 : memref<640xf32, #tpu.memory_space<hbm>>) dst(%arg9 : memref<640xf32, #tpu.memory_space<vmem>>)
      tpu.yield
    }) : () -> ()
    %scan3A_71 = arith.constant 0 : i32
    %scan3A_72 = arith.constant 40 : i32
    %scan3A_73 = arith.addi %scan3A_71, %scan3A_72 : i32
    %scan3A_74 = arith.constant 1 : i32
    scf.for %scan3A_144 = %scan3A_71 to %scan3A_73 step %scan3A_74  : i32 {
      %mul3A_145 = arith.constant 16 : i32
      %mul3A_146 = arith.muli %scan3A_144, %mul3A_145 : i32
      %get3A = arith.index_cast %mul3A_146 : i32 to index
      %get3A_147 = tpu.vector_load %arg9[%get3A] {strides = array<i32>} : memref<640xf32, #tpu.memory_space<vmem>>, vector<16xf32>,
      %get3A_148 = vector.shape_cast %get3A_147 : vector<16xf32> to vector<16xf32>
      %get3A_149 = arith.index_cast %mul3A_146 : i32 to index
      %get3A_150 = tpu.vector_load %arg10[%get3A_149] {strides = array<i32>} : memref<640xf32, #tpu.memory_space<vmem>>, vector<16xf32>,
      %get3A_151 = vector.shape_cast %get3A_150 : vector<16xf32> to vector<16xf32>
      %mul3A_152 = arith.mulf %get3A_148, %get3A_151 : vector<16xf32>
      %swap3A_153 = arith.index_cast %mul3A_146 : i32 to index
      %swap3A_154 = tpu.vector_load %arg9[%swap3A_153] {strides = array<i32>} : memref<640xf32, #tpu.memory_space<vmem>>, vector<16xf32>,
      %swap3A_155 = vector.shape_cast %swap3A_154 : vector<16xf32> to vector<16xf32>
      %swap3A_156 = vector.shape_cast %mul3A_152 : vector<16xf32> to vector<16xf32>
      tpu.vector_store %arg9[%swap3A_153], %swap3A_156 {strides = array<i32>} : memref<640xf32, #tpu.memory_space<vmem>>, vector<16xf32>,
    }
    %scan3A_75 = arith.constant 40 : i32
    "tpu.region"() ({
      %run_scoped3A = tpu.sem_alloc : memref<!tpu.dma_semaphore, #tpu.memory_space<semaphore_mem>>
      %dma_start3A_144 = tpu.memref_slice %arg13[%mul3A_1] : memref<10240xf32, #tpu.memory_space<vmem_shared>> -> memref<640xf32, #tpu.memory_space<vmem_shared>>
      %dma_start3A_145 = tpu.memref_slice %arg13[%mul3A_1] : memref<10240xf32, #tpu.memory_space<vmem_shared>> -> memref<640xf32, #tpu.memory_space<vmem_shared>>
      tpu.enqueue_dma source(%arg9 : memref<640xf32, #tpu.memory_space<vmem>>) target(%dma_start3A_145 : memref<640xf32, #tpu.memory_space<vmem_shared>>) target_semaphore(%run_scoped3A : memref<!tpu.dma_semaphore, #tpu.memory_space<semaphore_mem>>)
      %dma_wait3A_146 = tpu.memref_slice %arg13[%mul3A_1] : memref<10240xf32, #tpu.memory_space<vmem_shared>> -> memref<640xf32, #tpu.memory_space<vmem_shared>>
      %dma_wait3A_147 = tpu.memref_slice %arg13[%mul3A_1] : memref<10240xf32, #tpu.memory_space<vmem_shared>> -> memref<640xf32, #tpu.memory_space<vmem_shared>>
      tpu.wait_dma2 semaphore(%run_scoped3A : memref<!tpu.dma_semaphore, #tpu.memory_space<semaphore_mem>>) src(%arg9 : memref<640xf32, #tpu.memory_space<vmem>>) dst(%dma_wait3A_147 : memref<640xf32, #tpu.memory_space<vmem_shared>>)
      tpu.yield
    }) : () -> ()
    "tpu.region"() ({
      %run_scoped3A = tpu.sem_alloc : memref<!tpu.dma_semaphore, #tpu.memory_space<semaphore_mem>>
      %dma_start3A_144 = tpu.memref_slice %arg14[%mul3A_1] : memref<10240xf32, #tpu.memory_space<vmem_shared>> -> memref<640xf32, #tpu.memory_space<vmem_shared>>
      %dma_start3A_145 = tpu.memref_slice %arg14[%mul3A_1] : memref<10240xf32, #tpu.memory_space<vmem_shared>> -> memref<640xf32, #tpu.memory_space<vmem_shared>>
      tpu.enqueue_dma source(%arg9 : memref<640xf32, #tpu.memory_space<vmem>>) target(%dma_start3A_145 : memref<640xf32, #tpu.memory_space<vmem_shared>>) target_semaphore(%run_scoped3A : memref<!tpu.dma_semaphore, #tpu.memory_space<semaphore_mem>>)
      %dma_wait3A_146 = tpu.memref_slice %arg14[%mul3A_1] : memref<10240xf32, #tpu.memory_space<vmem_shared>> -> memref<640xf32, #tpu.memory_space<vmem_shared>>
      %dma_wait3A_147 = tpu.memref_slice %arg14[%mul3A_1] : memref<10240xf32, #tpu.memory_space<vmem_shared>> -> memref<640xf32, #tpu.memory_space<vmem_shared>>
      tpu.wait_dma2 semaphore(%run_scoped3A : memref<!tpu.dma_semaphore, #tpu.memory_space<semaphore_mem>>) src(%arg9 : memref<640xf32, #tpu.memory_space<vmem>>) dst(%dma_wait3A_147 : memref<640xf32, #tpu.memory_space<vmem_shared>>)
      tpu.yield
    }) : () -> ()
    %barrier3A_76 = arith.constant 0 : index
    tpu.barrier barrier_id(%barrier3A_76)
    %scan3A_77 = arith.constant 0 : i32
    %scan3A_78 = arith.constant 160 : i32
    %scan3A_79 = arith.addi %scan3A_77, %scan3A_78 : i32
    %scan3A_80 = arith.constant 1 : i32
    scf.for %scan3A_144 = %scan3A_77 to %scan3A_79 step %scan3A_80  : i32 {
      %mul3A_145 = arith.constant 128 : i32
      %mul3A_146 = arith.muli %scan3A_144, %mul3A_145 : i32
      %dma_start3A_147 = tpu.memref_slice %arg8[%mul3A_146] : memref<20480xf32, #tpu.memory_space<vmem>> -> memref<128xf32, #tpu.memory_space<vmem>>
      %dma_start3A_148 = arith.constant 0 : i32
      %dma_start3A_149 = tpu.memref_slice %arg6[%scan3A_144, %dma_start3A_148] : memref<160x128xi32, #tpu.memory_space<vmem>> -> memref<1x128xi32, #tpu.memory_space<vmem>>
      %dma_start3A_150 = tpu.memref_squeeze %dma_start3A_149 : memref<1x128xi32, #tpu.memory_space<vmem>> -> memref<128xi32, #tpu.memory_space<vmem>>
      %dma_start3A_151 = arith.constant 0 : i32
      %dma_start3A_152 = tpu.memref_slice %arg13[%dma_start3A_151] : memref<10240xf32, #tpu.memory_space<vmem_shared>> -> memref<10240xf32, #tpu.memory_space<vmem_shared>>
      tpu.enqueue_indirect_dma source(%dma_start3A_152 : memref<10240xf32, #tpu.memory_space<vmem_shared>>) target(%dma_start3A_147 : memref<128xf32, #tpu.memory_space<vmem>>) offsets(%dma_start3A_150 : memref<128xi32, #tpu.memory_space<vmem>>) semaphore(%arg15 : memref<!tpu.dma_semaphore, #tpu.memory_space<semaphore_mem>>)
      %ge3A = arith.constant 32 : i32
      %ge3A_153 = arith.cmpi sge, %scan3A_144, %ge3A : i32
      %convert_element_type3A_154 = arith.extui %ge3A_153 : i1 to i32
      %cond3A_155 = arith.constant 0 : i32
      %cond3A_156 = arith.cmpi ne, %convert_element_type3A_154, %cond3A_155 : i32
      scf.if %cond3A_156 {
        %sub3A = arith.constant 32 : i32
        %sub3A_162 = arith.subi %scan3A_144, %sub3A : i32
        %mul3A_163 = arith.constant 128 : i32
        %mul3A_164 = arith.muli %sub3A_162, %mul3A_163 : i32
        %dma_wait3A_165 = tpu.memref_slice %arg8[%mul3A_164] : memref<20480xf32, #tpu.memory_space<vmem>> -> memref<128xf32, #tpu.memory_space<vmem>>
        %dma_wait3A_166 = arith.constant 0 : i32
        %dma_wait3A_167 = tpu.memref_slice %arg6[%sub3A_162, %dma_wait3A_166] : memref<160x128xi32, #tpu.memory_space<vmem>> -> memref<1x128xi32, #tpu.memory_space<vmem>>
        %dma_wait3A_168 = tpu.memref_squeeze %dma_wait3A_167 : memref<1x128xi32, #tpu.memory_space<vmem>> -> memref<128xi32, #tpu.memory_space<vmem>>
        %dma_wait3A_169 = arith.constant 0 : i32
        %dma_wait3A_170 = tpu.memref_slice %arg13[%dma_wait3A_169] : memref<10240xf32, #tpu.memory_space<vmem_shared>> -> memref<10240xf32, #tpu.memory_space<vmem_shared>>
        tpu.wait_indirect_dma semaphore(%arg15 : memref<!tpu.dma_semaphore, #tpu.memory_space<semaphore_mem>>) src(%dma_wait3A_170 : memref<10240xf32, #tpu.memory_space<vmem_shared>>) dst(%dma_wait3A_165 : memref<128xf32, #tpu.memory_space<vmem>>)
        %mul3A_171 = arith.constant 128 : i32
        %mul3A_172 = arith.muli %sub3A_162, %mul3A_171 : i32
        %dma_start3A_173 = tpu.memref_slice %arg8[%mul3A_172] : memref<20480xf32, #tpu.memory_space<vmem>> -> memref<128xf32, #tpu.memory_space<vmem>>
        %dma_start3A_174 = arith.constant 0 : i32
        %dma_start3A_175 = tpu.memref_slice %arg7[%sub3A_162, %dma_start3A_174] : memref<160x128xi32, #tpu.memory_space<vmem>> -> memref<1x128xi32, #tpu.memory_space<vmem>>
        %dma_start3A_176 = tpu.memref_squeeze %dma_start3A_175 : memref<1x128xi32, #tpu.memory_space<vmem>> -> memref<128xi32, #tpu.memory_space<vmem>>
        %dma_start3A_177 = arith.constant 0 : i32
        %dma_start3A_178 = tpu.memref_slice %arg14[%dma_start3A_177] : memref<10240xf32, #tpu.memory_space<vmem_shared>> -> memref<10240xf32, #tpu.memory_space<vmem_shared>>
        tpu.enqueue_indirect_dma source(%dma_start3A_173 : memref<128xf32, #tpu.memory_space<vmem>>) target(%dma_start3A_178 : memref<10240xf32, #tpu.memory_space<vmem_shared>>) offsets(%dma_start3A_176 : memref<128xi32, #tpu.memory_space<vmem>>) semaphore(%arg16 : memref<!tpu.dma_semaphore, #tpu.memory_space<semaphore_mem>>) {add = true}
      } else {
      }
      %ge3A_157 = arith.constant 64 : i32
      %ge3A_158 = arith.cmpi sge, %scan3A_144, %ge3A_157 : i32
      %convert_element_type3A_159 = arith.extui %ge3A_158 : i1 to i32
      %cond3A_160 = arith.constant 0 : i32
      %cond3A_161 = arith.cmpi ne, %convert_element_type3A_159, %cond3A_160 : i32
      scf.if %cond3A_161 {
        %sub3A = arith.constant 64 : i32
        %sub3A_162 = arith.subi %scan3A_144, %sub3A : i32
        %mul3A_163 = arith.constant 128 : i32
        %mul3A_164 = arith.muli %sub3A_162, %mul3A_163 : i32
        %dma_wait3A_165 = tpu.memref_slice %arg8[%mul3A_164] : memref<20480xf32, #tpu.memory_space<vmem>> -> memref<128xf32, #tpu.memory_space<vmem>>
        %dma_wait3A_166 = arith.constant 0 : i32
        %dma_wait3A_167 = tpu.memref_slice %arg7[%sub3A_162, %dma_wait3A_166] : memref<160x128xi32, #tpu.memory_space<vmem>> -> memref<1x128xi32, #tpu.memory_space<vmem>>
        %dma_wait3A_168 = tpu.memref_squeeze %dma_wait3A_167 : memref<1x128xi32, #tpu.memory_space<vmem>> -> memref<128xi32, #tpu.memory_space<vmem>>
        %dma_wait3A_169 = arith.constant 0 : i32
        %dma_wait3A_170 = tpu.memref_slice %arg14[%dma_wait3A_169] : memref<10240xf32, #tpu.memory_space<vmem_shared>> -> memref<10240xf32, #tpu.memory_space<vmem_shared>>
        tpu.wait_indirect_dma semaphore(%arg16 : memref<!tpu.dma_semaphore, #tpu.memory_space<semaphore_mem>>) src(%dma_wait3A_165 : memref<128xf32, #tpu.memory_space<vmem>>) dst(%dma_wait3A_170 : memref<10240xf32, #tpu.memory_space<vmem_shared>>)
      } else {
      }
    }
    %scan3A_81 = arith.constant 160 : i32
    %scan3A_82 = arith.constant 128 : i32
    %scan3A_83 = arith.constant 32 : i32
    %scan3A_84 = arith.addi %scan3A_82, %scan3A_83 : i32
    %scan3A_85 = arith.constant 1 : i32
    scf.for %scan3A_144 = %scan3A_82 to %scan3A_84 step %scan3A_85  : i32 {
      %mul3A_145 = arith.constant 128 : i32
      %mul3A_146 = arith.muli %scan3A_144, %mul3A_145 : i32
      %dma_wait3A_147 = tpu.memref_slice %arg8[%mul3A_146] : memref<20480xf32, #tpu.memory_space<vmem>> -> memref<128xf32, #tpu.memory_space<vmem>>
      %dma_wait3A_148 = arith.constant 0 : i32
      %dma_wait3A_149 = tpu.memref_slice %arg6[%scan3A_144, %dma_wait3A_148] : memref<160x128xi32, #tpu.memory_space<vmem>> -> memref<1x128xi32, #tpu.memory_space<vmem>>
      %dma_wait3A_150 = tpu.memref_squeeze %dma_wait3A_149 : memref<1x128xi32, #tpu.memory_space<vmem>> -> memref<128xi32, #tpu.memory_space<vmem>>
      %dma_wait3A_151 = arith.constant 0 : i32
      %dma_wait3A_152 = tpu.memref_slice %arg13[%dma_wait3A_151] : memref<10240xf32, #tpu.memory_space<vmem_shared>> -> memref<10240xf32, #tpu.memory_space<vmem_shared>>
      tpu.wait_indirect_dma semaphore(%arg15 : memref<!tpu.dma_semaphore, #tpu.memory_space<semaphore_mem>>) src(%dma_wait3A_152 : memref<10240xf32, #tpu.memory_space<vmem_shared>>) dst(%dma_wait3A_147 : memref<128xf32, #tpu.memory_space<vmem>>)
      %mul3A_153 = arith.constant 128 : i32
      %mul3A_154 = arith.muli %scan3A_144, %mul3A_153 : i32
      %dma_start3A_155 = tpu.memref_slice %arg8[%mul3A_154] : memref<20480xf32, #tpu.memory_space<vmem>> -> memref<128xf32, #tpu.memory_space<vmem>>
      %dma_start3A_156 = arith.constant 0 : i32
      %dma_start3A_157 = tpu.memref_slice %arg7[%scan3A_144, %dma_start3A_156] : memref<160x128xi32, #tpu.memory_space<vmem>> -> memref<1x128xi32, #tpu.memory_space<vmem>>
      %dma_start3A_158 = tpu.memref_squeeze %dma_start3A_157 : memref<1x128xi32, #tpu.memory_space<vmem>> -> memref<128xi32, #tpu.memory_space<vmem>>
      %dma_start3A_159 = arith.constant 0 : i32
      %dma_start3A_160 = tpu.memref_slice %arg14[%dma_start3A_159] : memref<10240xf32, #tpu.memory_space<vmem_shared>> -> memref<10240xf32, #tpu.memory_space<vmem_shared>>
      tpu.enqueue_indirect_dma source(%dma_start3A_155 : memref<128xf32, #tpu.memory_space<vmem>>) target(%dma_start3A_160 : memref<10240xf32, #tpu.memory_space<vmem_shared>>) offsets(%dma_start3A_158 : memref<128xi32, #tpu.memory_space<vmem>>) semaphore(%arg16 : memref<!tpu.dma_semaphore, #tpu.memory_space<semaphore_mem>>) {add = true}
    }
    %scan3A_86 = arith.constant 32 : i32
    %scan3A_87 = arith.constant 96 : i32
    %scan3A_88 = arith.constant 64 : i32
    %scan3A_89 = arith.addi %scan3A_87, %scan3A_88 : i32
    %scan3A_90 = arith.constant 1 : i32
    scf.for %scan3A_144 = %scan3A_87 to %scan3A_89 step %scan3A_90  : i32 {
      %mul3A_145 = arith.constant 128 : i32
      %mul3A_146 = arith.muli %scan3A_144, %mul3A_145 : i32
      %dma_wait3A_147 = tpu.memref_slice %arg8[%mul3A_146] : memref<20480xf32, #tpu.memory_space<vmem>> -> memref<128xf32, #tpu.memory_space<vmem>>
      %dma_wait3A_148 = arith.constant 0 : i32
      %dma_wait3A_149 = tpu.memref_slice %arg7[%scan3A_144, %dma_wait3A_148] : memref<160x128xi32, #tpu.memory_space<vmem>> -> memref<1x128xi32, #tpu.memory_space<vmem>>
      %dma_wait3A_150 = tpu.memref_squeeze %dma_wait3A_149 : memref<1x128xi32, #tpu.memory_space<vmem>> -> memref<128xi32, #tpu.memory_space<vmem>>
      %dma_wait3A_151 = arith.constant 0 : i32
      %dma_wait3A_152 = tpu.memref_slice %arg14[%dma_wait3A_151] : memref<10240xf32, #tpu.memory_space<vmem_shared>> -> memref<10240xf32, #tpu.memory_space<vmem_shared>>
      tpu.wait_indirect_dma semaphore(%arg16 : memref<!tpu.dma_semaphore, #tpu.memory_space<semaphore_mem>>) src(%dma_wait3A_147 : memref<128xf32, #tpu.memory_space<vmem>>) dst(%dma_wait3A_152 : memref<10240xf32, #tpu.memory_space<vmem_shared>>)
    }
    %scan3A_91 = arith.constant 64 : i32
    %barrier3A_92 = arith.constant 0 : index
    tpu.barrier barrier_id(%barrier3A_92)
    "tpu.region"() ({
      %run_scoped3A = tpu.sem_alloc : memref<!tpu.dma_semaphore, #tpu.memory_space<semaphore_mem>>
      %dma_start3A_144 = tpu.memref_slice %arg14[%mul3A_1] : memref<10240xf32, #tpu.memory_space<vmem_shared>> -> memref<640xf32, #tpu.memory_space<vmem_shared>>
      %dma_start3A_145 = tpu.memref_slice %arg14[%mul3A_1] : memref<10240xf32, #tpu.memory_space<vmem_shared>> -> memref<640xf32, #tpu.memory_space<vmem_shared>>
      tpu.enqueue_dma source(%dma_start3A_145 : memref<640xf32, #tpu.memory_space<vmem_shared>>) target(%arg9 : memref<640xf32, #tpu.memory_space<vmem>>) target_semaphore(%run_scoped3A : memref<!tpu.dma_semaphore, #tpu.memory_space<semaphore_mem>>)
      %dma_wait3A_146 = tpu.memref_slice %arg14[%mul3A_1] : memref<10240xf32, #tpu.memory_space<vmem_shared>> -> memref<640xf32, #tpu.memory_space<vmem_shared>>
      %dma_wait3A_147 = tpu.memref_slice %arg14[%mul3A_1] : memref<10240xf32, #tpu.memory_space<vmem_shared>> -> memref<640xf32, #tpu.memory_space<vmem_shared>>
      tpu.wait_dma2 semaphore(%run_scoped3A : memref<!tpu.dma_semaphore, #tpu.memory_space<semaphore_mem>>) src(%dma_wait3A_147 : memref<640xf32, #tpu.memory_space<vmem_shared>>) dst(%arg9 : memref<640xf32, #tpu.memory_space<vmem>>)
      tpu.yield
    }) : () -> ()
    %scan3A_93 = arith.constant 0 : i32
    %scan3A_94 = arith.constant 40 : i32
    %scan3A_95 = arith.addi %scan3A_93, %scan3A_94 : i32
    %scan3A_96 = arith.constant 1 : i32
    scf.for %scan3A_144 = %scan3A_93 to %scan3A_95 step %scan3A_96  : i32 {
      %mul3A_145 = arith.constant 16 : i32
      %mul3A_146 = arith.muli %scan3A_144, %mul3A_145 : i32
      %get3A = arith.index_cast %mul3A_146 : i32 to index
      %get3A_147 = tpu.vector_load %arg10[%get3A] {strides = array<i32>} : memref<640xf32, #tpu.memory_space<vmem>>, vector<16xf32>,
      %get3A_148 = vector.shape_cast %get3A_147 : vector<16xf32> to vector<16xf32>
      %get3A_149 = arith.index_cast %mul3A_146 : i32 to index
      %get3A_150 = tpu.vector_load %arg9[%get3A_149] {strides = array<i32>} : memref<640xf32, #tpu.memory_space<vmem>>, vector<16xf32>,
      %get3A_151 = vector.shape_cast %get3A_150 : vector<16xf32> to vector<16xf32>
      %mul3A_152 = arith.mulf %get3A_151, %get3A_148 : vector<16xf32>
      %mul3A_153 = arith.mulf %mul3A_152, %get3A_148 : vector<16xf32>
      %swap3A_154 = arith.index_cast %mul3A_146 : i32 to index
      %swap3A_155 = tpu.vector_load %arg9[%swap3A_154] {strides = array<i32>} : memref<640xf32, #tpu.memory_space<vmem>>, vector<16xf32>,
      %swap3A_156 = vector.shape_cast %swap3A_155 : vector<16xf32> to vector<16xf32>
      %swap3A_157 = vector.shape_cast %mul3A_153 : vector<16xf32> to vector<16xf32>
      tpu.vector_store %arg9[%swap3A_154], %swap3A_157 {strides = array<i32>} : memref<640xf32, #tpu.memory_space<vmem>>, vector<16xf32>,
    }
    %scan3A_97 = arith.constant 40 : i32
    "tpu.region"() ({
      %run_scoped3A = tpu.sem_alloc : memref<!tpu.dma_semaphore, #tpu.memory_space<semaphore_mem>>
      %dma_start3A_144 = tpu.memref_slice %arg14[%mul3A_1] : memref<10240xf32, #tpu.memory_space<vmem_shared>> -> memref<640xf32, #tpu.memory_space<vmem_shared>>
      %dma_start3A_145 = tpu.memref_slice %arg14[%mul3A_1] : memref<10240xf32, #tpu.memory_space<vmem_shared>> -> memref<640xf32, #tpu.memory_space<vmem_shared>>
      tpu.enqueue_dma source(%arg9 : memref<640xf32, #tpu.memory_space<vmem>>) target(%dma_start3A_145 : memref<640xf32, #tpu.memory_space<vmem_shared>>) target_semaphore(%run_scoped3A : memref<!tpu.dma_semaphore, #tpu.memory_space<semaphore_mem>>)
      %dma_wait3A_146 = tpu.memref_slice %arg14[%mul3A_1] : memref<10240xf32, #tpu.memory_space<vmem_shared>> -> memref<640xf32, #tpu.memory_space<vmem_shared>>
      %dma_wait3A_147 = tpu.memref_slice %arg14[%mul3A_1] : memref<10240xf32, #tpu.memory_space<vmem_shared>> -> memref<640xf32, #tpu.memory_space<vmem_shared>>
      tpu.wait_dma2 semaphore(%run_scoped3A : memref<!tpu.dma_semaphore, #tpu.memory_space<semaphore_mem>>) src(%arg9 : memref<640xf32, #tpu.memory_space<vmem>>) dst(%dma_wait3A_147 : memref<640xf32, #tpu.memory_space<vmem_shared>>)
      tpu.yield
    }) : () -> ()
    "tpu.region"() ({
      %run_scoped3A = tpu.sem_alloc : memref<!tpu.dma_semaphore, #tpu.memory_space<semaphore_mem>>
      %dma_start3A_144 = tpu.memref_slice %arg13[%mul3A_1] : memref<10240xf32, #tpu.memory_space<vmem_shared>> -> memref<640xf32, #tpu.memory_space<vmem_shared>>
      %dma_start3A_145 = tpu.memref_slice %arg13[%mul3A_1] : memref<10240xf32, #tpu.memory_space<vmem_shared>> -> memref<640xf32, #tpu.memory_space<vmem_shared>>
      tpu.enqueue_dma source(%arg9 : memref<640xf32, #tpu.memory_space<vmem>>) target(%dma_start3A_145 : memref<640xf32, #tpu.memory_space<vmem_shared>>) target_semaphore(%run_scoped3A : memref<!tpu.dma_semaphore, #tpu.memory_space<semaphore_mem>>)
      %dma_wait3A_146 = tpu.memref_slice %arg13[%mul3A_1] : memref<10240xf32, #tpu.memory_space<vmem_shared>> -> memref<640xf32, #tpu.memory_space<vmem_shared>>
      %dma_wait3A_147 = tpu.memref_slice %arg13[%mul3A_1] : memref<10240xf32, #tpu.memory_space<vmem_shared>> -> memref<640xf32, #tpu.memory_space<vmem_shared>>
      tpu.wait_dma2 semaphore(%run_scoped3A : memref<!tpu.dma_semaphore, #tpu.memory_space<semaphore_mem>>) src(%arg9 : memref<640xf32, #tpu.memory_space<vmem>>) dst(%dma_wait3A_147 : memref<640xf32, #tpu.memory_space<vmem_shared>>)
      tpu.yield
    }) : () -> ()
    %barrier3A_98 = arith.constant 0 : index
    tpu.barrier barrier_id(%barrier3A_98)
    %scan3A_99 = arith.constant 0 : i32
    %scan3A_100 = arith.constant 160 : i32
    %scan3A_101 = arith.addi %scan3A_99, %scan3A_100 : i32
    %scan3A_102 = arith.constant 1 : i32
    scf.for %scan3A_144 = %scan3A_99 to %scan3A_101 step %scan3A_102  : i32 {
      %mul3A_145 = arith.constant 128 : i32
      %mul3A_146 = arith.muli %scan3A_144, %mul3A_145 : i32
      %dma_start3A_147 = tpu.memref_slice %arg8[%mul3A_146] : memref<20480xf32, #tpu.memory_space<vmem>> -> memref<128xf32, #tpu.memory_space<vmem>>
      %dma_start3A_148 = arith.constant 0 : i32
      %dma_start3A_149 = tpu.memref_slice %arg6[%scan3A_144, %dma_start3A_148] : memref<160x128xi32, #tpu.memory_space<vmem>> -> memref<1x128xi32, #tpu.memory_space<vmem>>
      %dma_start3A_150 = tpu.memref_squeeze %dma_start3A_149 : memref<1x128xi32, #tpu.memory_space<vmem>> -> memref<128xi32, #tpu.memory_space<vmem>>
      %dma_start3A_151 = arith.constant 0 : i32
      %dma_start3A_152 = tpu.memref_slice %arg14[%dma_start3A_151] : memref<10240xf32, #tpu.memory_space<vmem_shared>> -> memref<10240xf32, #tpu.memory_space<vmem_shared>>
      tpu.enqueue_indirect_dma source(%dma_start3A_152 : memref<10240xf32, #tpu.memory_space<vmem_shared>>) target(%dma_start3A_147 : memref<128xf32, #tpu.memory_space<vmem>>) offsets(%dma_start3A_150 : memref<128xi32, #tpu.memory_space<vmem>>) semaphore(%arg15 : memref<!tpu.dma_semaphore, #tpu.memory_space<semaphore_mem>>)
      %ge3A = arith.constant 32 : i32
      %ge3A_153 = arith.cmpi sge, %scan3A_144, %ge3A : i32
      %convert_element_type3A_154 = arith.extui %ge3A_153 : i1 to i32
      %cond3A_155 = arith.constant 0 : i32
      %cond3A_156 = arith.cmpi ne, %convert_element_type3A_154, %cond3A_155 : i32
      scf.if %cond3A_156 {
        %sub3A = arith.constant 32 : i32
        %sub3A_162 = arith.subi %scan3A_144, %sub3A : i32
        %mul3A_163 = arith.constant 128 : i32
        %mul3A_164 = arith.muli %sub3A_162, %mul3A_163 : i32
        %dma_wait3A_165 = tpu.memref_slice %arg8[%mul3A_164] : memref<20480xf32, #tpu.memory_space<vmem>> -> memref<128xf32, #tpu.memory_space<vmem>>
        %dma_wait3A_166 = arith.constant 0 : i32
        %dma_wait3A_167 = tpu.memref_slice %arg6[%sub3A_162, %dma_wait3A_166] : memref<160x128xi32, #tpu.memory_space<vmem>> -> memref<1x128xi32, #tpu.memory_space<vmem>>
        %dma_wait3A_168 = tpu.memref_squeeze %dma_wait3A_167 : memref<1x128xi32, #tpu.memory_space<vmem>> -> memref<128xi32, #tpu.memory_space<vmem>>
        %dma_wait3A_169 = arith.constant 0 : i32
        %dma_wait3A_170 = tpu.memref_slice %arg14[%dma_wait3A_169] : memref<10240xf32, #tpu.memory_space<vmem_shared>> -> memref<10240xf32, #tpu.memory_space<vmem_shared>>
        tpu.wait_indirect_dma semaphore(%arg15 : memref<!tpu.dma_semaphore, #tpu.memory_space<semaphore_mem>>) src(%dma_wait3A_170 : memref<10240xf32, #tpu.memory_space<vmem_shared>>) dst(%dma_wait3A_165 : memref<128xf32, #tpu.memory_space<vmem>>)
        %mul3A_171 = arith.constant 128 : i32
        %mul3A_172 = arith.muli %sub3A_162, %mul3A_171 : i32
        %dma_start3A_173 = tpu.memref_slice %arg8[%mul3A_172] : memref<20480xf32, #tpu.memory_space<vmem>> -> memref<128xf32, #tpu.memory_space<vmem>>
        %dma_start3A_174 = arith.constant 0 : i32
        %dma_start3A_175 = tpu.memref_slice %arg7[%sub3A_162, %dma_start3A_174] : memref<160x128xi32, #tpu.memory_space<vmem>> -> memref<1x128xi32, #tpu.memory_space<vmem>>
        %dma_start3A_176 = tpu.memref_squeeze %dma_start3A_175 : memref<1x128xi32, #tpu.memory_space<vmem>> -> memref<128xi32, #tpu.memory_space<vmem>>
        %dma_start3A_177 = arith.constant 0 : i32
        %dma_start3A_178 = tpu.memref_slice %arg13[%dma_start3A_177] : memref<10240xf32, #tpu.memory_space<vmem_shared>> -> memref<10240xf32, #tpu.memory_space<vmem_shared>>
        tpu.enqueue_indirect_dma source(%dma_start3A_173 : memref<128xf32, #tpu.memory_space<vmem>>) target(%dma_start3A_178 : memref<10240xf32, #tpu.memory_space<vmem_shared>>) offsets(%dma_start3A_176 : memref<128xi32, #tpu.memory_space<vmem>>) semaphore(%arg16 : memref<!tpu.dma_semaphore, #tpu.memory_space<semaphore_mem>>) {add = true}
      } else {
      }
      %ge3A_157 = arith.constant 64 : i32
      %ge3A_158 = arith.cmpi sge, %scan3A_144, %ge3A_157 : i32
      %convert_element_type3A_159 = arith.extui %ge3A_158 : i1 to i32
      %cond3A_160 = arith.constant 0 : i32
      %cond3A_161 = arith.cmpi ne, %convert_element_type3A_159, %cond3A_160 : i32
      scf.if %cond3A_161 {
        %sub3A = arith.constant 64 : i32
        %sub3A_162 = arith.subi %scan3A_144, %sub3A : i32
        %mul3A_163 = arith.constant 128 : i32
        %mul3A_164 = arith.muli %sub3A_162, %mul3A_163 : i32
        %dma_wait3A_165 = tpu.memref_slice %arg8[%mul3A_164] : memref<20480xf32, #tpu.memory_space<vmem>> -> memref<128xf32, #tpu.memory_space<vmem>>
        %dma_wait3A_166 = arith.constant 0 : i32
        %dma_wait3A_167 = tpu.memref_slice %arg7[%sub3A_162, %dma_wait3A_166] : memref<160x128xi32, #tpu.memory_space<vmem>> -> memref<1x128xi32, #tpu.memory_space<vmem>>
        %dma_wait3A_168 = tpu.memref_squeeze %dma_wait3A_167 : memref<1x128xi32, #tpu.memory_space<vmem>> -> memref<128xi32, #tpu.memory_space<vmem>>
        %dma_wait3A_169 = arith.constant 0 : i32
        %dma_wait3A_170 = tpu.memref_slice %arg13[%dma_wait3A_169] : memref<10240xf32, #tpu.memory_space<vmem_shared>> -> memref<10240xf32, #tpu.memory_space<vmem_shared>>
        tpu.wait_indirect_dma semaphore(%arg16 : memref<!tpu.dma_semaphore, #tpu.memory_space<semaphore_mem>>) src(%dma_wait3A_165 : memref<128xf32, #tpu.memory_space<vmem>>) dst(%dma_wait3A_170 : memref<10240xf32, #tpu.memory_space<vmem_shared>>)
      } else {
      }
    }
    %scan3A_103 = arith.constant 160 : i32
    %scan3A_104 = arith.constant 128 : i32
    %scan3A_105 = arith.constant 32 : i32
    %scan3A_106 = arith.addi %scan3A_104, %scan3A_105 : i32
    %scan3A_107 = arith.constant 1 : i32
    scf.for %scan3A_144 = %scan3A_104 to %scan3A_106 step %scan3A_107  : i32 {
      %mul3A_145 = arith.constant 128 : i32
      %mul3A_146 = arith.muli %scan3A_144, %mul3A_145 : i32
      %dma_wait3A_147 = tpu.memref_slice %arg8[%mul3A_146] : memref<20480xf32, #tpu.memory_space<vmem>> -> memref<128xf32, #tpu.memory_space<vmem>>
      %dma_wait3A_148 = arith.constant 0 : i32
      %dma_wait3A_149 = tpu.memref_slice %arg6[%scan3A_144, %dma_wait3A_148] : memref<160x128xi32, #tpu.memory_space<vmem>> -> memref<1x128xi32, #tpu.memory_space<vmem>>
      %dma_wait3A_150 = tpu.memref_squeeze %dma_wait3A_149 : memref<1x128xi32, #tpu.memory_space<vmem>> -> memref<128xi32, #tpu.memory_space<vmem>>
      %dma_wait3A_151 = arith.constant 0 : i32
      %dma_wait3A_152 = tpu.memref_slice %arg14[%dma_wait3A_151] : memref<10240xf32, #tpu.memory_space<vmem_shared>> -> memref<10240xf32, #tpu.memory_space<vmem_shared>>
      tpu.wait_indirect_dma semaphore(%arg15 : memref<!tpu.dma_semaphore, #tpu.memory_space<semaphore_mem>>) src(%dma_wait3A_152 : memref<10240xf32, #tpu.memory_space<vmem_shared>>) dst(%dma_wait3A_147 : memref<128xf32, #tpu.memory_space<vmem>>)
      %mul3A_153 = arith.constant 128 : i32
      %mul3A_154 = arith.muli %scan3A_144, %mul3A_153 : i32
      %dma_start3A_155 = tpu.memref_slice %arg8[%mul3A_154] : memref<20480xf32, #tpu.memory_space<vmem>> -> memref<128xf32, #tpu.memory_space<vmem>>
      %dma_start3A_156 = arith.constant 0 : i32
      %dma_start3A_157 = tpu.memref_slice %arg7[%scan3A_144, %dma_start3A_156] : memref<160x128xi32, #tpu.memory_space<vmem>> -> memref<1x128xi32, #tpu.memory_space<vmem>>
      %dma_start3A_158 = tpu.memref_squeeze %dma_start3A_157 : memref<1x128xi32, #tpu.memory_space<vmem>> -> memref<128xi32, #tpu.memory_space<vmem>>
      %dma_start3A_159 = arith.constant 0 : i32
      %dma_start3A_160 = tpu.memref_slice %arg13[%dma_start3A_159] : memref<10240xf32, #tpu.memory_space<vmem_shared>> -> memref<10240xf32, #tpu.memory_space<vmem_shared>>
      tpu.enqueue_indirect_dma source(%dma_start3A_155 : memref<128xf32, #tpu.memory_space<vmem>>) target(%dma_start3A_160 : memref<10240xf32, #tpu.memory_space<vmem_shared>>) offsets(%dma_start3A_158 : memref<128xi32, #tpu.memory_space<vmem>>) semaphore(%arg16 : memref<!tpu.dma_semaphore, #tpu.memory_space<semaphore_mem>>) {add = true}
    }
    %scan3A_108 = arith.constant 32 : i32
    %scan3A_109 = arith.constant 96 : i32
    %scan3A_110 = arith.constant 64 : i32
    %scan3A_111 = arith.addi %scan3A_109, %scan3A_110 : i32
    %scan3A_112 = arith.constant 1 : i32
    scf.for %scan3A_144 = %scan3A_109 to %scan3A_111 step %scan3A_112  : i32 {
      %mul3A_145 = arith.constant 128 : i32
      %mul3A_146 = arith.muli %scan3A_144, %mul3A_145 : i32
      %dma_wait3A_147 = tpu.memref_slice %arg8[%mul3A_146] : memref<20480xf32, #tpu.memory_space<vmem>> -> memref<128xf32, #tpu.memory_space<vmem>>
      %dma_wait3A_148 = arith.constant 0 : i32
      %dma_wait3A_149 = tpu.memref_slice %arg7[%scan3A_144, %dma_wait3A_148] : memref<160x128xi32, #tpu.memory_space<vmem>> -> memref<1x128xi32, #tpu.memory_space<vmem>>
      %dma_wait3A_150 = tpu.memref_squeeze %dma_wait3A_149 : memref<1x128xi32, #tpu.memory_space<vmem>> -> memref<128xi32, #tpu.memory_space<vmem>>
      %dma_wait3A_151 = arith.constant 0 : i32
      %dma_wait3A_152 = tpu.memref_slice %arg13[%dma_wait3A_151] : memref<10240xf32, #tpu.memory_space<vmem_shared>> -> memref<10240xf32, #tpu.memory_space<vmem_shared>>
      tpu.wait_indirect_dma semaphore(%arg16 : memref<!tpu.dma_semaphore, #tpu.memory_space<semaphore_mem>>) src(%dma_wait3A_147 : memref<128xf32, #tpu.memory_space<vmem>>) dst(%dma_wait3A_152 : memref<10240xf32, #tpu.memory_space<vmem_shared>>)
    }
    %scan3A_113 = arith.constant 64 : i32
    %barrier3A_114 = arith.constant 0 : index
    tpu.barrier barrier_id(%barrier3A_114)
    "tpu.region"() ({
      %run_scoped3A = tpu.sem_alloc : memref<!tpu.dma_semaphore, #tpu.memory_space<semaphore_mem>>
      %dma_start3A_144 = tpu.memref_slice %arg13[%mul3A_1] : memref<10240xf32, #tpu.memory_space<vmem_shared>> -> memref<640xf32, #tpu.memory_space<vmem_shared>>
      %dma_start3A_145 = tpu.memref_slice %arg13[%mul3A_1] : memref<10240xf32, #tpu.memory_space<vmem_shared>> -> memref<640xf32, #tpu.memory_space<vmem_shared>>
      tpu.enqueue_dma source(%dma_start3A_145 : memref<640xf32, #tpu.memory_space<vmem_shared>>) target(%arg9 : memref<640xf32, #tpu.memory_space<vmem>>) target_semaphore(%run_scoped3A : memref<!tpu.dma_semaphore, #tpu.memory_space<semaphore_mem>>)
      %dma_wait3A_146 = tpu.memref_slice %arg13[%mul3A_1] : memref<10240xf32, #tpu.memory_space<vmem_shared>> -> memref<640xf32, #tpu.memory_space<vmem_shared>>
      %dma_wait3A_147 = tpu.memref_slice %arg13[%mul3A_1] : memref<10240xf32, #tpu.memory_space<vmem_shared>> -> memref<640xf32, #tpu.memory_space<vmem_shared>>
      tpu.wait_dma2 semaphore(%run_scoped3A : memref<!tpu.dma_semaphore, #tpu.memory_space<semaphore_mem>>) src(%dma_wait3A_147 : memref<640xf32, #tpu.memory_space<vmem_shared>>) dst(%arg9 : memref<640xf32, #tpu.memory_space<vmem>>)
      tpu.yield
    }) : () -> ()
    %scan3A_115 = arith.constant 0 : i32
    %scan3A_116 = arith.constant 40 : i32
    %scan3A_117 = arith.addi %scan3A_115, %scan3A_116 : i32
    %scan3A_118 = arith.constant 1 : i32
    scf.for %scan3A_144 = %scan3A_115 to %scan3A_117 step %scan3A_118  : i32 {
      %mul3A_145 = arith.constant 16 : i32
      %mul3A_146 = arith.muli %scan3A_144, %mul3A_145 : i32
      %get3A = arith.index_cast %mul3A_146 : i32 to index
      %get3A_147 = tpu.vector_load %arg10[%get3A] {strides = array<i32>} : memref<640xf32, #tpu.memory_space<vmem>>, vector<16xf32>,
      %get3A_148 = vector.shape_cast %get3A_147 : vector<16xf32> to vector<16xf32>
      %get3A_149 = arith.index_cast %mul3A_146 : i32 to index
      %get3A_150 = tpu.vector_load %arg9[%get3A_149] {strides = array<i32>} : memref<640xf32, #tpu.memory_space<vmem>>, vector<16xf32>,
      %get3A_151 = vector.shape_cast %get3A_150 : vector<16xf32> to vector<16xf32>
      %mul3A_152 = arith.mulf %get3A_151, %get3A_148 : vector<16xf32>
      %mul3A_153 = arith.mulf %mul3A_152, %get3A_148 : vector<16xf32>
      %swap3A_154 = arith.index_cast %mul3A_146 : i32 to index
      %swap3A_155 = tpu.vector_load %arg9[%swap3A_154] {strides = array<i32>} : memref<640xf32, #tpu.memory_space<vmem>>, vector<16xf32>,
      %swap3A_156 = vector.shape_cast %swap3A_155 : vector<16xf32> to vector<16xf32>
      %swap3A_157 = vector.shape_cast %mul3A_153 : vector<16xf32> to vector<16xf32>
      tpu.vector_store %arg9[%swap3A_154], %swap3A_157 {strides = array<i32>} : memref<640xf32, #tpu.memory_space<vmem>>, vector<16xf32>,
    }
    %scan3A_119 = arith.constant 40 : i32
    "tpu.region"() ({
      %run_scoped3A = tpu.sem_alloc : memref<!tpu.dma_semaphore, #tpu.memory_space<semaphore_mem>>
      %dma_start3A_144 = tpu.memref_slice %arg13[%mul3A_1] : memref<10240xf32, #tpu.memory_space<vmem_shared>> -> memref<640xf32, #tpu.memory_space<vmem_shared>>
      %dma_start3A_145 = tpu.memref_slice %arg13[%mul3A_1] : memref<10240xf32, #tpu.memory_space<vmem_shared>> -> memref<640xf32, #tpu.memory_space<vmem_shared>>
      tpu.enqueue_dma source(%arg9 : memref<640xf32, #tpu.memory_space<vmem>>) target(%dma_start3A_145 : memref<640xf32, #tpu.memory_space<vmem_shared>>) target_semaphore(%run_scoped3A : memref<!tpu.dma_semaphore, #tpu.memory_space<semaphore_mem>>)
      %dma_wait3A_146 = tpu.memref_slice %arg13[%mul3A_1] : memref<10240xf32, #tpu.memory_space<vmem_shared>> -> memref<640xf32, #tpu.memory_space<vmem_shared>>
      %dma_wait3A_147 = tpu.memref_slice %arg13[%mul3A_1] : memref<10240xf32, #tpu.memory_space<vmem_shared>> -> memref<640xf32, #tpu.memory_space<vmem_shared>>
      tpu.wait_dma2 semaphore(%run_scoped3A : memref<!tpu.dma_semaphore, #tpu.memory_space<semaphore_mem>>) src(%arg9 : memref<640xf32, #tpu.memory_space<vmem>>) dst(%dma_wait3A_147 : memref<640xf32, #tpu.memory_space<vmem_shared>>)
      tpu.yield
    }) : () -> ()
    "tpu.region"() ({
      %run_scoped3A = tpu.sem_alloc : memref<!tpu.dma_semaphore, #tpu.memory_space<semaphore_mem>>
      %dma_start3A_144 = tpu.memref_slice %arg14[%mul3A_1] : memref<10240xf32, #tpu.memory_space<vmem_shared>> -> memref<640xf32, #tpu.memory_space<vmem_shared>>
      %dma_start3A_145 = tpu.memref_slice %arg14[%mul3A_1] : memref<10240xf32, #tpu.memory_space<vmem_shared>> -> memref<640xf32, #tpu.memory_space<vmem_shared>>
      tpu.enqueue_dma source(%arg9 : memref<640xf32, #tpu.memory_space<vmem>>) target(%dma_start3A_145 : memref<640xf32, #tpu.memory_space<vmem_shared>>) target_semaphore(%run_scoped3A : memref<!tpu.dma_semaphore, #tpu.memory_space<semaphore_mem>>)
      %dma_wait3A_146 = tpu.memref_slice %arg14[%mul3A_1] : memref<10240xf32, #tpu.memory_space<vmem_shared>> -> memref<640xf32, #tpu.memory_space<vmem_shared>>
      %dma_wait3A_147 = tpu.memref_slice %arg14[%mul3A_1] : memref<10240xf32, #tpu.memory_space<vmem_shared>> -> memref<640xf32, #tpu.memory_space<vmem_shared>>
      tpu.wait_dma2 semaphore(%run_scoped3A : memref<!tpu.dma_semaphore, #tpu.memory_space<semaphore_mem>>) src(%arg9 : memref<640xf32, #tpu.memory_space<vmem>>) dst(%dma_wait3A_147 : memref<640xf32, #tpu.memory_space<vmem_shared>>)
      tpu.yield
    }) : () -> ()
    %barrier3A_120 = arith.constant 0 : index
    tpu.barrier barrier_id(%barrier3A_120)
    %scan3A_121 = arith.constant 0 : i32
    %scan3A_122 = arith.constant 160 : i32
    %scan3A_123 = arith.addi %scan3A_121, %scan3A_122 : i32
    %scan3A_124 = arith.constant 1 : i32
    scf.for %scan3A_144 = %scan3A_121 to %scan3A_123 step %scan3A_124  : i32 {
      %mul3A_145 = arith.constant 128 : i32
      %mul3A_146 = arith.muli %scan3A_144, %mul3A_145 : i32
      %dma_start3A_147 = tpu.memref_slice %arg8[%mul3A_146] : memref<20480xf32, #tpu.memory_space<vmem>> -> memref<128xf32, #tpu.memory_space<vmem>>
      %dma_start3A_148 = arith.constant 0 : i32
      %dma_start3A_149 = tpu.memref_slice %arg6[%scan3A_144, %dma_start3A_148] : memref<160x128xi32, #tpu.memory_space<vmem>> -> memref<1x128xi32, #tpu.memory_space<vmem>>
      %dma_start3A_150 = tpu.memref_squeeze %dma_start3A_149 : memref<1x128xi32, #tpu.memory_space<vmem>> -> memref<128xi32, #tpu.memory_space<vmem>>
      %dma_start3A_151 = arith.constant 0 : i32
      %dma_start3A_152 = tpu.memref_slice %arg13[%dma_start3A_151] : memref<10240xf32, #tpu.memory_space<vmem_shared>> -> memref<10240xf32, #tpu.memory_space<vmem_shared>>
      tpu.enqueue_indirect_dma source(%dma_start3A_152 : memref<10240xf32, #tpu.memory_space<vmem_shared>>) target(%dma_start3A_147 : memref<128xf32, #tpu.memory_space<vmem>>) offsets(%dma_start3A_150 : memref<128xi32, #tpu.memory_space<vmem>>) semaphore(%arg15 : memref<!tpu.dma_semaphore, #tpu.memory_space<semaphore_mem>>)
      %ge3A = arith.constant 32 : i32
      %ge3A_153 = arith.cmpi sge, %scan3A_144, %ge3A : i32
      %convert_element_type3A_154 = arith.extui %ge3A_153 : i1 to i32
      %cond3A_155 = arith.constant 0 : i32
      %cond3A_156 = arith.cmpi ne, %convert_element_type3A_154, %cond3A_155 : i32
      scf.if %cond3A_156 {
        %sub3A = arith.constant 32 : i32
        %sub3A_162 = arith.subi %scan3A_144, %sub3A : i32
        %mul3A_163 = arith.constant 128 : i32
        %mul3A_164 = arith.muli %sub3A_162, %mul3A_163 : i32
        %dma_wait3A_165 = tpu.memref_slice %arg8[%mul3A_164] : memref<20480xf32, #tpu.memory_space<vmem>> -> memref<128xf32, #tpu.memory_space<vmem>>
        %dma_wait3A_166 = arith.constant 0 : i32
        %dma_wait3A_167 = tpu.memref_slice %arg6[%sub3A_162, %dma_wait3A_166] : memref<160x128xi32, #tpu.memory_space<vmem>> -> memref<1x128xi32, #tpu.memory_space<vmem>>
        %dma_wait3A_168 = tpu.memref_squeeze %dma_wait3A_167 : memref<1x128xi32, #tpu.memory_space<vmem>> -> memref<128xi32, #tpu.memory_space<vmem>>
        %dma_wait3A_169 = arith.constant 0 : i32
        %dma_wait3A_170 = tpu.memref_slice %arg13[%dma_wait3A_169] : memref<10240xf32, #tpu.memory_space<vmem_shared>> -> memref<10240xf32, #tpu.memory_space<vmem_shared>>
        tpu.wait_indirect_dma semaphore(%arg15 : memref<!tpu.dma_semaphore, #tpu.memory_space<semaphore_mem>>) src(%dma_wait3A_170 : memref<10240xf32, #tpu.memory_space<vmem_shared>>) dst(%dma_wait3A_165 : memref<128xf32, #tpu.memory_space<vmem>>)
        %mul3A_171 = arith.constant 128 : i32
        %mul3A_172 = arith.muli %sub3A_162, %mul3A_171 : i32
        %dma_start3A_173 = tpu.memref_slice %arg8[%mul3A_172] : memref<20480xf32, #tpu.memory_space<vmem>> -> memref<128xf32, #tpu.memory_space<vmem>>
        %dma_start3A_174 = arith.constant 0 : i32
        %dma_start3A_175 = tpu.memref_slice %arg7[%sub3A_162, %dma_start3A_174] : memref<160x128xi32, #tpu.memory_space<vmem>> -> memref<1x128xi32, #tpu.memory_space<vmem>>
        %dma_start3A_176 = tpu.memref_squeeze %dma_start3A_175 : memref<1x128xi32, #tpu.memory_space<vmem>> -> memref<128xi32, #tpu.memory_space<vmem>>
        %dma_start3A_177 = arith.constant 0 : i32
        %dma_start3A_178 = tpu.memref_slice %arg14[%dma_start3A_177] : memref<10240xf32, #tpu.memory_space<vmem_shared>> -> memref<10240xf32, #tpu.memory_space<vmem_shared>>
        tpu.enqueue_indirect_dma source(%dma_start3A_173 : memref<128xf32, #tpu.memory_space<vmem>>) target(%dma_start3A_178 : memref<10240xf32, #tpu.memory_space<vmem_shared>>) offsets(%dma_start3A_176 : memref<128xi32, #tpu.memory_space<vmem>>) semaphore(%arg16 : memref<!tpu.dma_semaphore, #tpu.memory_space<semaphore_mem>>) {add = true}
      } else {
      }
      %ge3A_157 = arith.constant 64 : i32
      %ge3A_158 = arith.cmpi sge, %scan3A_144, %ge3A_157 : i32
      %convert_element_type3A_159 = arith.extui %ge3A_158 : i1 to i32
      %cond3A_160 = arith.constant 0 : i32
      %cond3A_161 = arith.cmpi ne, %convert_element_type3A_159, %cond3A_160 : i32
      scf.if %cond3A_161 {
        %sub3A = arith.constant 64 : i32
        %sub3A_162 = arith.subi %scan3A_144, %sub3A : i32
        %mul3A_163 = arith.constant 128 : i32
        %mul3A_164 = arith.muli %sub3A_162, %mul3A_163 : i32
        %dma_wait3A_165 = tpu.memref_slice %arg8[%mul3A_164] : memref<20480xf32, #tpu.memory_space<vmem>> -> memref<128xf32, #tpu.memory_space<vmem>>
        %dma_wait3A_166 = arith.constant 0 : i32
        %dma_wait3A_167 = tpu.memref_slice %arg7[%sub3A_162, %dma_wait3A_166] : memref<160x128xi32, #tpu.memory_space<vmem>> -> memref<1x128xi32, #tpu.memory_space<vmem>>
        %dma_wait3A_168 = tpu.memref_squeeze %dma_wait3A_167 : memref<1x128xi32, #tpu.memory_space<vmem>> -> memref<128xi32, #tpu.memory_space<vmem>>
        %dma_wait3A_169 = arith.constant 0 : i32
        %dma_wait3A_170 = tpu.memref_slice %arg14[%dma_wait3A_169] : memref<10240xf32, #tpu.memory_space<vmem_shared>> -> memref<10240xf32, #tpu.memory_space<vmem_shared>>
        tpu.wait_indirect_dma semaphore(%arg16 : memref<!tpu.dma_semaphore, #tpu.memory_space<semaphore_mem>>) src(%dma_wait3A_165 : memref<128xf32, #tpu.memory_space<vmem>>) dst(%dma_wait3A_170 : memref<10240xf32, #tpu.memory_space<vmem_shared>>)
      } else {
      }
    }
    %scan3A_125 = arith.constant 160 : i32
    %scan3A_126 = arith.constant 128 : i32
    %scan3A_127 = arith.constant 32 : i32
    %scan3A_128 = arith.addi %scan3A_126, %scan3A_127 : i32
    %scan3A_129 = arith.constant 1 : i32
    scf.for %scan3A_144 = %scan3A_126 to %scan3A_128 step %scan3A_129  : i32 {
      %mul3A_145 = arith.constant 128 : i32
      %mul3A_146 = arith.muli %scan3A_144, %mul3A_145 : i32
      %dma_wait3A_147 = tpu.memref_slice %arg8[%mul3A_146] : memref<20480xf32, #tpu.memory_space<vmem>> -> memref<128xf32, #tpu.memory_space<vmem>>
      %dma_wait3A_148 = arith.constant 0 : i32
      %dma_wait3A_149 = tpu.memref_slice %arg6[%scan3A_144, %dma_wait3A_148] : memref<160x128xi32, #tpu.memory_space<vmem>> -> memref<1x128xi32, #tpu.memory_space<vmem>>
      %dma_wait3A_150 = tpu.memref_squeeze %dma_wait3A_149 : memref<1x128xi32, #tpu.memory_space<vmem>> -> memref<128xi32, #tpu.memory_space<vmem>>
      %dma_wait3A_151 = arith.constant 0 : i32
      %dma_wait3A_152 = tpu.memref_slice %arg13[%dma_wait3A_151] : memref<10240xf32, #tpu.memory_space<vmem_shared>> -> memref<10240xf32, #tpu.memory_space<vmem_shared>>
      tpu.wait_indirect_dma semaphore(%arg15 : memref<!tpu.dma_semaphore, #tpu.memory_space<semaphore_mem>>) src(%dma_wait3A_152 : memref<10240xf32, #tpu.memory_space<vmem_shared>>) dst(%dma_wait3A_147 : memref<128xf32, #tpu.memory_space<vmem>>)
      %mul3A_153 = arith.constant 128 : i32
      %mul3A_154 = arith.muli %scan3A_144, %mul3A_153 : i32
      %dma_start3A_155 = tpu.memref_slice %arg8[%mul3A_154] : memref<20480xf32, #tpu.memory_space<vmem>> -> memref<128xf32, #tpu.memory_space<vmem>>
      %dma_start3A_156 = arith.constant 0 : i32
      %dma_start3A_157 = tpu.memref_slice %arg7[%scan3A_144, %dma_start3A_156] : memref<160x128xi32, #tpu.memory_space<vmem>> -> memref<1x128xi32, #tpu.memory_space<vmem>>
      %dma_start3A_158 = tpu.memref_squeeze %dma_start3A_157 : memref<1x128xi32, #tpu.memory_space<vmem>> -> memref<128xi32, #tpu.memory_space<vmem>>
      %dma_start3A_159 = arith.constant 0 : i32
      %dma_start3A_160 = tpu.memref_slice %arg14[%dma_start3A_159] : memref<10240xf32, #tpu.memory_space<vmem_shared>> -> memref<10240xf32, #tpu.memory_space<vmem_shared>>
      tpu.enqueue_indirect_dma source(%dma_start3A_155 : memref<128xf32, #tpu.memory_space<vmem>>) target(%dma_start3A_160 : memref<10240xf32, #tpu.memory_space<vmem_shared>>) offsets(%dma_start3A_158 : memref<128xi32, #tpu.memory_space<vmem>>) semaphore(%arg16 : memref<!tpu.dma_semaphore, #tpu.memory_space<semaphore_mem>>) {add = true}
    }
    %scan3A_130 = arith.constant 32 : i32
    %scan3A_131 = arith.constant 96 : i32
    %scan3A_132 = arith.constant 64 : i32
    %scan3A_133 = arith.addi %scan3A_131, %scan3A_132 : i32
    %scan3A_134 = arith.constant 1 : i32
    scf.for %scan3A_144 = %scan3A_131 to %scan3A_133 step %scan3A_134  : i32 {
      %mul3A_145 = arith.constant 128 : i32
      %mul3A_146 = arith.muli %scan3A_144, %mul3A_145 : i32
      %dma_wait3A_147 = tpu.memref_slice %arg8[%mul3A_146] : memref<20480xf32, #tpu.memory_space<vmem>> -> memref<128xf32, #tpu.memory_space<vmem>>
      %dma_wait3A_148 = arith.constant 0 : i32
      %dma_wait3A_149 = tpu.memref_slice %arg7[%scan3A_144, %dma_wait3A_148] : memref<160x128xi32, #tpu.memory_space<vmem>> -> memref<1x128xi32, #tpu.memory_space<vmem>>
      %dma_wait3A_150 = tpu.memref_squeeze %dma_wait3A_149 : memref<1x128xi32, #tpu.memory_space<vmem>> -> memref<128xi32, #tpu.memory_space<vmem>>
      %dma_wait3A_151 = arith.constant 0 : i32
      %dma_wait3A_152 = tpu.memref_slice %arg14[%dma_wait3A_151] : memref<10240xf32, #tpu.memory_space<vmem_shared>> -> memref<10240xf32, #tpu.memory_space<vmem_shared>>
      tpu.wait_indirect_dma semaphore(%arg16 : memref<!tpu.dma_semaphore, #tpu.memory_space<semaphore_mem>>) src(%dma_wait3A_147 : memref<128xf32, #tpu.memory_space<vmem>>) dst(%dma_wait3A_152 : memref<10240xf32, #tpu.memory_space<vmem_shared>>)
    }
    %scan3A_135 = arith.constant 64 : i32
    %barrier3A_136 = arith.constant 0 : index
    tpu.barrier barrier_id(%barrier3A_136)
    "tpu.region"() ({
      %run_scoped3A = tpu.sem_alloc : memref<!tpu.dma_semaphore, #tpu.memory_space<semaphore_mem>>
      %dma_start3A_144 = tpu.memref_slice %arg14[%mul3A_1] : memref<10240xf32, #tpu.memory_space<vmem_shared>> -> memref<640xf32, #tpu.memory_space<vmem_shared>>
      %dma_start3A_145 = tpu.memref_slice %arg14[%mul3A_1] : memref<10240xf32, #tpu.memory_space<vmem_shared>> -> memref<640xf32, #tpu.memory_space<vmem_shared>>
      tpu.enqueue_dma source(%dma_start3A_145 : memref<640xf32, #tpu.memory_space<vmem_shared>>) target(%arg9 : memref<640xf32, #tpu.memory_space<vmem>>) target_semaphore(%run_scoped3A : memref<!tpu.dma_semaphore, #tpu.memory_space<semaphore_mem>>)
      %dma_wait3A_146 = tpu.memref_slice %arg14[%mul3A_1] : memref<10240xf32, #tpu.memory_space<vmem_shared>> -> memref<640xf32, #tpu.memory_space<vmem_shared>>
      %dma_wait3A_147 = tpu.memref_slice %arg14[%mul3A_1] : memref<10240xf32, #tpu.memory_space<vmem_shared>> -> memref<640xf32, #tpu.memory_space<vmem_shared>>
      tpu.wait_dma2 semaphore(%run_scoped3A : memref<!tpu.dma_semaphore, #tpu.memory_space<semaphore_mem>>) src(%dma_wait3A_147 : memref<640xf32, #tpu.memory_space<vmem_shared>>) dst(%arg9 : memref<640xf32, #tpu.memory_space<vmem>>)
      tpu.yield
    }) : () -> ()
    %scan3A_137 = arith.constant 0 : i32
    %scan3A_138 = arith.constant 40 : i32
    %scan3A_139 = arith.addi %scan3A_137, %scan3A_138 : i32
    %scan3A_140 = arith.constant 1 : i32
    scf.for %scan3A_144 = %scan3A_137 to %scan3A_139 step %scan3A_140  : i32 {
      %mul3A_145 = arith.constant 16 : i32
      %mul3A_146 = arith.muli %scan3A_144, %mul3A_145 : i32
      %get3A = arith.index_cast %mul3A_146 : i32 to index
      %get3A_147 = tpu.vector_load %arg10[%get3A] {strides = array<i32>} : memref<640xf32, #tpu.memory_space<vmem>>, vector<16xf32>,
      %get3A_148 = vector.shape_cast %get3A_147 : vector<16xf32> to vector<16xf32>
      %get3A_149 = arith.index_cast %mul3A_146 : i32 to index
      %get3A_150 = tpu.vector_load %arg9[%get3A_149] {strides = array<i32>} : memref<640xf32, #tpu.memory_space<vmem>>, vector<16xf32>,
      %get3A_151 = vector.shape_cast %get3A_150 : vector<16xf32> to vector<16xf32>
      %mul3A_152 = arith.mulf %get3A_151, %get3A_148 : vector<16xf32>
      %swap3A_153 = arith.index_cast %mul3A_146 : i32 to index
      %swap3A_154 = tpu.vector_load %arg9[%swap3A_153] {strides = array<i32>} : memref<640xf32, #tpu.memory_space<vmem>>, vector<16xf32>,
      %swap3A_155 = vector.shape_cast %swap3A_154 : vector<16xf32> to vector<16xf32>
      %swap3A_156 = vector.shape_cast %mul3A_152 : vector<16xf32> to vector<16xf32>
      tpu.vector_store %arg9[%swap3A_153], %swap3A_156 {strides = array<i32>} : memref<640xf32, #tpu.memory_space<vmem>>, vector<16xf32>,
    }
    %scan3A_141 = arith.constant 40 : i32
    %eq3A = arith.constant 0 : i32
    %eq3A_142 = arith.cmpi eq, %arg0, %eq3A : i32
    %convert_element_type3A = arith.extui %eq3A_142 : i1 to i32
    %cond3A = arith.constant 0 : i32
    %cond3A_143 = arith.cmpi ne, %convert_element_type3A, %cond3A : i32
    scf.if %cond3A_143 {
      "tpu.region"() ({
        %run_scoped3A = tpu.sem_alloc : memref<!tpu.dma_semaphore, #tpu.memory_space<semaphore_mem>>
        %dma_start3A_144 = tpu.memref_slice %arg5[%mul3A_1] : memref<10240xf32, #tpu.memory_space<hbm>> -> memref<640xf32, #tpu.memory_space<hbm>>
        %dma_start3A_145 = tpu.memref_slice %arg5[%mul3A_1] : memref<10240xf32, #tpu.memory_space<hbm>> -> memref<640xf32, #tpu.memory_space<hbm>>
        tpu.enqueue_dma source(%arg9 : memref<640xf32, #tpu.memory_space<vmem>>) target(%dma_start3A_145 : memref<640xf32, #tpu.memory_space<hbm>>) target_semaphore(%run_scoped3A : memref<!tpu.dma_semaphore, #tpu.memory_space<semaphore_mem>>)
        %dma_wait3A_146 = tpu.memref_slice %arg5[%mul3A_1] : memref<10240xf32, #tpu.memory_space<hbm>> -> memref<640xf32, #tpu.memory_space<hbm>>
        %dma_wait3A_147 = tpu.memref_slice %arg5[%mul3A_1] : memref<10240xf32, #tpu.memory_space<hbm>> -> memref<640xf32, #tpu.memory_space<hbm>>
        tpu.wait_dma2 semaphore(%run_scoped3A : memref<!tpu.dma_semaphore, #tpu.memory_space<semaphore_mem>>) src(%arg9 : memref<640xf32, #tpu.memory_space<vmem>>) dst(%dma_wait3A_147 : memref<640xf32, #tpu.memory_space<hbm>>)
        tpu.yield
      }) : () -> ()
    } else {
    }
    return
  }
}

module attributes {stable_mosaic.version = 14 : i64} {
  func.func @_matvec_body(%arg0: memref<10000x128xf32, #tpu.memory_space<vmem>>, %arg1: memref<1x128xf32, #tpu.memory_space<vmem>>, %arg2: memref<10000x1xf32, #tpu.memory_space<vmem>>) attributes {dimension_semantics = [], scalar_prefetch = 0 : i64, scratch_operands = 0 : i64, tpu.core_type = #tpu.core_type<tc>} {
    %get3A = arith.constant 0 : index
    %get3A_0 = arith.constant 0 : index
    %get3A_1 = vector.load %arg0[%get3A, %get3A_0] : memref<10000x128xf32, #tpu.memory_space<vmem>>, vector<10000x128xf32>
    %get3A_2 = arith.constant 0 : index
    %get3A_3 = arith.constant 0 : index
    %get3A_4 = vector.load %arg1[%get3A_2, %get3A_3] : memref<1x128xf32, #tpu.memory_space<vmem>>, vector<1x128xf32>
    %dot_general3A = arith.constant dense<0.000000e+00> : vector<10000x1xf32>
    %dot_general3A_5 = tpu.matmul %get3A_1, %get3A_4, %dot_general3A {dimension_numbers = #tpu.dot_dimension_numbers<[1], [1], [0], [0], [0, 0, 1, 0], [], []>, transpose_lhs_hint = false} : vector<10000x128xf32>, vector<1x128xf32>, vector<10000x1xf32> -> vector<10000x1xf32>
    %swap3A = arith.constant 0 : index
    %swap3A_6 = arith.constant 0 : index
    %swap3A_7 = vector.load %arg2[%swap3A, %swap3A_6] : memref<10000x1xf32, #tpu.memory_space<vmem>>, vector<10000x1xf32>
    tpu.vector_store %arg2[%swap3A, %swap3A_6], %dot_general3A_5 {strides = array<i32>} : memref<10000x1xf32, #tpu.memory_space<vmem>>, vector<10000x1xf32>,
    return
  }
}

</mosaic_0001>

<sc_bundles>
// kernel: kernel.4.cloned.1.call-start
scs
__scs_entry_jumppad:
0x0: {  	(pc) =	sbr.rel $0x88, $3  }
0x1: {  	(tag) =	ssettag $0x0;
	lr =	simm.s32 $0x1  }
0x2: {  	[smem:$0x3F9D] =	sst lr;
	_ =	strace $0xD0000000  }
0x3: {  	_ = 	snop  }
0x4: {  	_ = 	snop  }
0x5: {  	_ = 	snop  }
0x6: {  	_ = 	snop  }
0x7: {  	_ = 	snop  }
__scs_overlays_trampoline_lowered:
0x8: {  	[smem:$0x3FAC] =	sst s0  }
0x9: {  	[smem:$0x3FAD] =	sst s1  }
0xa: {  	[smem:$0x3FAE] =	sst s2  }
0xb: {  	[smem:$0x3FAF] =	sst s3  }
0xc: {  	[smem:$0x3FB0] =	sst s4  }
0xd: {  	[smem:$0x3FB1] =	sst s5  }
0xe: {  	[smem:$0x3FB2] =	sst s6  }
0xf: {  	[smem:$0x3FB3] =	sst s7  }
0x10: {  	[smem:$0x3FB4] =	sst s8  }
0x11: {  	[smem:$0x3FB5] =	sst s9;
	s0 =	simm.s32 @!p0 $0x0  }
0x12: {  	s1 =	sld [smem:$0x3F9B];
	s0 =	simm.s32 @p0 $0x1  }
0x13: {  	[smem:$0x3FB6] =	sst s0;
	s0 =	simm.s32 @!p1 $0x0  }
0x14: {  	s2 =	sld [smem:$0x3F9A];
	s0 =	simm.s32 @p1 $0x1  }
0x15: {  	[smem:$0x3FB7] =	sst s0;
	s0 =	simm.s32 @!p2 $0x0  }
0x16: {  	s3 =	sld [smem:$0x3FDB];
	s0 =	simm.s32 @p2 $0x1  }
0x17: {  	s4 =	simm.s32 $0x1BF5;
	[smem:$0x3FB9] =	sst s0  }
0x18: {  	s0 =	sld [smem:$0x3F9C];
	_ =	swait.ge [sflag:s4], $0x0  }
0x19: {  	s7 =	sld [smem:$0x3F9D]  }
0x1a: {  	s8 =	sadd.s32 $0xFFFFE003, lr  }
0x1b: {  	s9 =	sadd.s32 $0xFFFFFEF7, lr;
	s5 =	simm.s32 $0xFFFFFFFF;
	p2 =	slt.u32 s8, $0xFFFFF086  }
0x1c: {  	p1 =	slt.u32 s9, $0xF7A;
	s5 =	simm.s32 @!p2 $0x0  }
0x1d: {  	s5 =	simm.s32 @p1 $0x1;
	p0 =	seq.s32 s7, s2  }
0x1e: {  	s7 =	smul.u32 @!p0 $0xF7A, s2;
	p2 =	seq.s32 @!p0 s5, $0x0  }
0x1f: {  	s9 =	smul.u32 $0xF7A, s1;
	s8 =	simm.s32 @!p0 $0x1BF5;
	p2 =	por !p2, p0  }
0x20: {  	[sflag:s8] =	ssyncset.s32 @!p0 $0xFFFFF086;
	s6 =	sadd.s32 @!p0 s3, s7;
	s7 =	simm.s32 @!p0 $0x108  }
0x21: {  	s3 =	sadd.s32 s3, s9;
	s6 =	sadd.s32 @!p0 $0x88, s6;
	s7 =	simm.s32 @p2 $0x1082  }
0x22: {  	[simem:s7], [sflag:s8] =	dma.local @!p0 [hbm:s6], $0xF7A  }
0x23: {  	s9 =	sor.u32 $0xD0000000, s2;
	s6 =	simm.s32 $0x108;
	_ =	swait.ge @!p0 [sflag:s8], $0x0  }
0x24: {  	s3 =	sadd.s32 $0x88, s3;
	s6 =	simm.s32 @!p1 $0x1082;
	[sflag:s4] =	ssyncset.s32 $0xFFFFF086  }
0x25: {  	[simem:s6], [sflag:s4] =	dma.local [hbm:s3], $0xF7A  }
0x26: {  	[smem:$0x3F9D] =	sst s1;
	(tag) =	ssettag s2;
	_ =	strace s9  }
0x27: {  	s1 =	sld [smem:$0x3FAD]  }
0x28: {  	s2 =	sld [smem:$0x3FAE]  }
0x29: {  	s4 =	sld [smem:$0x3FB0]  }
0x2a: {  	p0 =	seq.s32 s5, $0x0;
	s5 =	sld [smem:$0x3FB1]  }
0x2b: {  	s6 =	sld [smem:$0x3FB2]  }
0x2c: {  	s7 =	sld [smem:$0x3FB3]  }
0x2d: {  	s3 =	simm.s32 $0x108;
	s8 =	sld [smem:$0x3FB4]  }
0x2e: {  	s3 =	simm.s32 @!p0 $0x1082;
	s9 =	sld [smem:$0x3FB5]  }
0x2f: {  	lr =	sadd.s32 s0, s3;
	s0 =	sld [smem:$0x3FAC]  }
0x30: {  	s3 =	sld [smem:$0x3FAF]  }
0x31: {  	[smem:$0x3FB8] =	sst s10  }
0x32: {  	s10 =	sld [smem:$0x3FB6];
	_ =	sdelay $0x3  }
0x33: {  	p0 =	seq.s32 s10, $0x1;
	s10 =	sld [smem:$0x3FB8];
	_ =	sdelay $0x3  }
0x34: {  	[smem:$0x3FB8] =	sst s10  }
0x35: {  	s10 =	sld [smem:$0x3FB7];
	_ =	sdelay $0x3  }
0x36: {  	p1 =	seq.s32 s10, $0x1;
	s10 =	sld [smem:$0x3FB8];
	_ =	sdelay $0x3  }
0x37: {  	[smem:$0x3FB8] =	sst s10  }
0x38: {  	s10 =	sld [smem:$0x3FB9]  }
0x39: {  	_ = 	snop;
	(pc) =	sbr.ind lr, $3  }
0x3a: {  	_ = 	snop  }
0x3b: {  	_ = 	snop  }
0x3c: {  	p2 =	seq.s32 s10, $0x1;
	s10 =	sld [smem:$0x3FB8]  }
0x3d: {  	_ =	shalt  }
0x3e: {  	_ =	shalt  }
0x3f: {  	_ =	shalt  }
0x40: {  	_ =	shalt  }
0x41: {  	_ =	shalt  }
0x42: {  	_ =	shalt  }
0x43: {  	_ =	shalt  }
0x44: {  	_ =	shalt  }
0x45: {  	_ =	shalt  }
0x46: {  	_ =	shalt  }
0x47: {  	_ =	shalt  }
0x48: {  	_ =	shalt  }
0x49: {  	_ =	shalt  }
0x4a: {  	_ =	shalt  }
0x4b: {  	_ =	shalt  }
0x4c: {  	_ =	shalt  }
0x4d: {  	_ =	shalt  }
0x4e: {  	_ =	shalt  }
0x4f: {  	_ =	shalt  }
0x50: {  	_ =	shalt  }
0x51: {  	_ =	shalt  }
0x52: {  	_ =	shalt  }
0x53: {  	_ =	shalt  }
0x54: {  	_ =	shalt  }
0x55: {  	_ =	shalt  }
0x56: {  	_ =	shalt  }
0x57: {  	_ =	shalt  }
0x58: {  	_ =	shalt  }
0x59: {  	_ =	shalt  }
0x5a: {  	_ =	shalt  }
0x5b: {  	_ =	shalt  }
0x5c: {  	_ =	shalt  }
0x5d: {  	_ =	shalt  }
0x5e: {  	_ =	shalt  }
0x5f: {  	_ =	shalt  }
0x60: {  	_ =	shalt  }
0x61: {  	_ =	shalt  }
0x62: {  	_ =	shalt  }
0x63: {  	_ =	shalt  }
0x64: {  	_ =	shalt  }
0x65: {  	_ =	shalt  }
0x66: {  	_ =	shalt  }
0x67: {  	_ =	shalt  }
0x68: {  	_ =	shalt  }
0x69: {  	_ =	shalt  }
0x6a: {  	_ =	shalt  }
0x6b: {  	_ =	shalt  }
0x6c: {  	_ =	shalt  }
0x6d: {  	_ =	shalt  }
0x6e: {  	_ =	shalt  }
0x6f: {  	_ =	shalt  }
0x70: {  	_ =	shalt  }
0x71: {  	_ =	shalt  }
0x72: {  	_ =	shalt  }
0x73: {  	_ =	shalt  }
0x74: {  	_ =	shalt  }
0x75: {  	_ =	shalt  }
0x76: {  	_ =	shalt  }
0x77: {  	_ =	shalt  }
0x78: {  	_ =	shalt  }
0x79: {  	_ =	shalt  }
0x7a: {  	_ =	shalt  }
0x7b: {  	_ =	shalt  }
0x7c: {  	_ =	shalt  }
0x7d: {  	_ =	shalt  }
0x7e: {  	_ =	shalt  }
0x7f: {  	_ =	shalt  }
0x80: {  	_ =	shalt  }
0x81: {  	_ =	shalt  }
0x82: {  	_ =	shalt  }
0x83: {  	_ =	shalt  }
0x84: {  	_ =	shalt  }
0x85: {  	_ =	shalt  }
0x86: {  	_ =	shalt  }
0x87: {  	_ =	shalt  }
.Lfunc_end0:
.L_simem_size_0:
called_computation_lowered:
.L_overlay_start_0:
0x88: {  	s2 =	sld [smem:$0x3FD9]  }
0x89: {  	s3 =	sld [smem:$0x3FFE];
	_ =	sdelay $0x1  }
0x8a: {  	s1 =	srdreg.scid  }
0x8b: {  	s0 =	sand.u32 $0x1, s1  }
0x8c: {  	s16 =	sshll.u32 s0, $0xA;
	s2 =	sadd.s32 s3, s2  }
0x8d: {  	s2 =	sadd.s32 s2, s16  }
0x8e: {  	[smem:$0x3FC4] =	sst s2  }
0x8f: {  	_ = 	snop  }
0x90: {  	(tm) =	ssettm $0x1  }
0x91: {  	s17 =	sld [smem:$0x3FFB];
	_ =	sdelay $0x3  }
0x92: {  	_ =	strace s17  }
0x93: {  	s2 =	sld [smem:$0x3FFC];
	_ =	sdelay $0x3  }
0x94: {  	_ =	strace s2  }
0x95: {  	s2 =	sld [smem:$0x3FFD];
	_ =	sdelay $0x3  }
0x96: {  	_ =	strace s2  }
0x97: {  	_ =	strace $0x8FFFFFFF  }
0x98: {  	s18 =	sld [smem:$0x3FDB];
	_ =	sdelay $0x1  }
0x99: {  	s19 =	simm.s32 $_scs_section_size  }
0x9a: {  	s4 =	simm.s32 $_size__tile_overlayer_lowered;
	s5 =	simm.s32 $_tile_overlayer_lowered  }
0x9b: {  	s22 =	simm.s32 $0x1BFF;
	s21 =	sshll.u32 s5, $0x1;
	s2 =	sadd.s32 s19, s18  }
0x9c: {  	s6 =	simm.s32 $0x0;
	s20 =	sshll.u32 s4, $0x1;
	s4 =	sadd.s32 s21, s2  }
0x9d: {  	[timem:s6], [sflag:s22] =	dma.local [hbm:s4], s20  }
0x9e: {  	_ =	swait.ge [sflag:s22], s20  }
0x9f: {  	s3 =	ssub.s32 $0x0, s20;
	[sflag:s22] =	ssyncset.done $0x0  }
0xa0: {  	[sflag:s22] =	ssyncadd.s32 s3;
	_ =	sdelay $0x1  }
0xa1: {  	s23 =	simm.s32 $0x1B8B  }
0xa2: {  	_ =	swait.ge [sflag:s23], $0x1  }
0xa3: {  	[sflag:s23] =	ssyncset.done $0x0  }
0xa4: {  	s25 =	simm.s32 $0x1B8E;
	s24 =	sld [smem:$0x3FFE];
	[sflag:s23] =	ssyncadd.s32 $0xFFFFFFFF  }
0xa5: {  	s26 =	simm.s32 $execute0_lowered;
	[smem:$0x3FD2] =	sst s25  }
0xa6: {  	s4 =	sshll.u32 s26, $0x1;
	_ =	strace $0x80000046;
	[dreg:$0x1] =	wrdreg $0xFFFFFFFF  }
0xa7: {  	s28 =	simm.s32 $_size_execute0_lowered;
	s2 =	sadd.s32 s2, s4;
	[dreg:$0x0] =	wrdreg $0x0  }
0xa8: {  	s4 =	sshll.u32 s28, $0x1;
	[dreg:$0x2] =	wrdreg s2  }
0xa9: {  	[dreg:$0x3] =	wrdreg s4  }
0xaa: {  	[dreg:$0x4] =	wrdreg $0xC0  }
0xab: {  	_ =	task [dreg:s6], $0x5FFFF  }
0xac: {  	[dreg:$0x1] =	wrdreg $0xFFFFFFFF  }
0xad: {  	[dreg:$0x0] =	wrdreg $0x60  }
0xae: {  	[dreg:$0x2] =	wrdreg s24  }
0xaf: {  	[dreg:$0x3] =	wrdreg $0xF5800  }
0xb0: {  	[dreg:$0x4] =	wrdreg $0xF8000  }
0xb1: {  	[dreg:$0x5] =	wrdreg $0xFA800  }
0xb2: {  	[dreg:$0x6] =	wrdreg $0x9  }
0xb3: {  	_ =	task.clear_ibuf [dreg:s6], $0x7FFFF;
	_ =	strace $0x90000046  }
0xb4: {  	s29 =	simm.s32 $0x9;
	_ =	strace $0x80000048  }
0xb5: {  	_ =	swait.ge [sflag:s29], $0x1  }
0xb6: {  	[sflag:s29] =	ssyncadd.s32 $0xFFFFFFFF  }
0xb7: {  	_ =	strace $0x90000048  }
0xb8: {  	_ =	sfence  }
0xb9: {  	s30 =	sld [smem:$0x0];
	_ =	sdelay $0x2  }
0xba: {  	s31 =	sshll.u32 s1, $0xD;
	s1 =	sshrl.u32 s1, $0x2  }
0xbb: {  	s3 =	sand.u32 $0x4000, s31;
	s1 =	sadd.s32 s1, s30  }
0xbc: {  	s0 =	sor.u32 s3, s0;
	s1 =	sshll.u32 s1, $0x11  }
0xbd: {  	s0 =	sor.u32 s1, s0  }
0xbe: {  	s0 =	sadd.s32 $0x8F2B, s0  }
0xbf: {  	[sflag:s0] =	ssyncadd.remote.s32 $0x1  }
0xc0: {  	_ =	sfence.sel $0xFFFF  }
0xc1: {  	[dreg:$0x0] =	wrdreg $0xFFFFFFFF;
	(pc) =	sbr.abs _section_cstart, $3  }
0xc2: {  	[dreg:$0x1] =	wrdreg $0xFFFFFFFF  }
0xc3: {  	_ =	task.clear_ibuf [dreg:s6], $0x2FFFF;
	_ =	strace $0x9FFFFFFF  }
0xc4: {  	(tm) =	ssettm $0x7FFFFFFF  }
0xc5: {  	_ =	shalt  }
tec
execute0_lowered:
.L_overlay_start_1:
0x0: {  	(tag) =	ssettag $0x1  }
0x1: {  	s6 =	rddreg [dreg:$0x0]  }
0x2: {  	s2 =	rddreg [dreg:$0x1]  }
0x3: {  	s3 =	rddreg [dreg:$0x2]  }
0x4: {  	s4 =	rddreg [dreg:$0x3]  }
0x5: {  	s0 =	rddreg [dreg:$0x4]  }
0x6: {  	s1 =	stileid.u32;
	s7 =	srdreg.scid  }
0x7: {  	s5 =	simm.s32 $0x0;
	s14 =	simm.s32 $0xF000;
	s15 =	simm.s32 $0x3  }
0x8: {  	s16 =	simm.s32 $0x1;
	s17 =	simm.s32 $0x80;
	s18 =	simm.s32 $0xF500  }
0x9: {  	s19 =	simm.s32 $0x2;
	s11 =	smul.u32 $0x280, s1;
	s20 =	sand.u32 $0x1, s7  }
0xa: {  	[smem:$0x7FF] =	sst s5;
	s8 =	smul.u32 $0xA00, s1;
	s7 =	ssub.s32 $0x2, s20  }
0xb: {  	_ =	strace $0x80000047;
	p0 =	sne.s32 s20, $0x0;
	s9 =	sshrl.u32 s11, $0x3  }
0xc: {  	s20 =	simm.s32 $0x0;
	s10 =	sshrl.u32 s7, $0x1;
	s12 =	sadd.s32 s9, s6  }
0xd: {  	s13 =	ssub.s32 s7, s10;
	s6 =	sadd.s32 s6, s8;
	s8 =	sadd.s32 s11, s2  }
0xe: {  	s10 =	sadd.s32 s11, s3;
	s11 =	sadd.s32 s11, s4;
	s7 =	sadd.s32 $0xA000, s6  }
0xf: {  	v0 =	vimm.f32 $1.000000000e+00;
	s9 =	sadd.s32 $0x14000, s12;
	s12 =	sadd.s32 $0x14600, s12;
	s13 =	smax.u32 s13, $0x1  }
.LBB2_1:
0x10: {  	[tilespmem:s5], [sflag:$0x1] =	stream.linear.gather [hbm4b:s6+s5], $0x5000, $0x38;
	[tilespmem:$0xFD00] =	vst v63  }
0x11: {  	s21 =	simm.s32 $0x5000  }
0x12: {  	[tilespmem:s21], [sflag:$0x1] =	stream.linear.gather [hbm4b:s7+s5], $0x5000, $0x38;
	[tilespmem:$0xFD00] =	vst v63  }
0x13: {  	[tilespmem:$0xF500] =	vst v0  }
0x14: {  	[tilespmem:$0xF510] =	vst v0  }
0x15: {  	[tilespmem:$0xF520] =	vst v0  }
0x16: {  	[tilespmem:$0xF530] =	vst v0  }
0x17: {  	[tilespmem:$0xF540] =	vst v0  }
0x18: {  	[tilespmem:$0xF550] =	vst v0  }
0x19: {  	[tilespmem:$0xF560] =	vst v0  }
0x1a: {  	[tilespmem:$0xF570] =	vst v0  }
0x1b: {  	[tilespmem:$0xF000] =	vst v0  }
0x1c: {  	[tilespmem:$0xF010] =	vst v0  }
0x1d: {  	[tilespmem:$0xF020] =	vst v0  }
0x1e: {  	[tilespmem:$0xF030] =	vst v0  }
0x1f: {  	[tilespmem:$0xF040] =	vst v0  }
0x20: {  	[tilespmem:$0xF050] =	vst v0  }
0x21: {  	[tilespmem:$0xF060] =	vst v0  }
0x22: {  	[tilespmem:$0xF070] =	vst v0  }
0x23: {  	[tilespmem:$0xF080] =	vst v0  }
0x24: {  	[tilespmem:$0xF090] =	vst v0  }
0x25: {  	[tilespmem:$0xF0A0] =	vst v0  }
0x26: {  	[tilespmem:$0xF0B0] =	vst v0  }
0x27: {  	[tilespmem:$0xF0C0] =	vst v0  }
0x28: {  	[tilespmem:$0xF0D0] =	vst v0  }
0x29: {  	[tilespmem:$0xF0E0] =	vst v0  }
0x2a: {  	[tilespmem:$0xF0F0] =	vst v0  }
0x2b: {  	[tilespmem:$0xF100] =	vst v0  }
0x2c: {  	[tilespmem:$0xF110] =	vst v0  }
0x2d: {  	[tilespmem:$0xF120] =	vst v0  }
0x2e: {  	[tilespmem:$0xF130] =	vst v0  }
0x2f: {  	[tilespmem:$0xF140] =	vst v0  }
0x30: {  	[tilespmem:$0xF150] =	vst v0  }
0x31: {  	[tilespmem:$0xF160] =	vst v0  }
0x32: {  	[tilespmem:$0xF170] =	vst v0  }
0x33: {  	[tilespmem:$0xF180] =	vst v0  }
0x34: {  	[tilespmem:$0xF190] =	vst v0  }
0x35: {  	[tilespmem:$0xF1A0] =	vst v0  }
0x36: {  	[tilespmem:$0xF1B0] =	vst v0  }
0x37: {  	[tilespmem:$0xF1C0] =	vst v0  }
0x38: {  	[tilespmem:$0xF1D0] =	vst v0  }
0x39: {  	[tilespmem:$0xF1E0] =	vst v0  }
0x3a: {  	[tilespmem:$0xF1F0] =	vst v0  }
0x3b: {  	[tilespmem:$0xF200] =	vst v0  }
0x3c: {  	[tilespmem:$0xF210] =	vst v0  }
0x3d: {  	[tilespmem:$0xF220] =	vst v0  }
0x3e: {  	[tilespmem:$0xF230] =	vst v0  }
0x3f: {  	[tilespmem:$0xF240] =	vst v0  }
0x40: {  	[tilespmem:$0xF250] =	vst v0  }
0x41: {  	[tilespmem:$0xF260] =	vst v0  }
0x42: {  	[tilespmem:$0xF270] =	vst v0  }
0x43: {  	[spmem:s8] =	stream.linear.scatter [tilespmem:s14], [sflag:$0x3], $0x280, $0x38;
	[tilespmem:$0xFD00] =	vst v63  }
0x44: {  	_ =	swait.ge [sflag:s15], $0x280  }
0x45: {  	[sflag:s15] =	ssyncset.done $0x0  }
0x46: {  	[sflag:s15] =	ssyncadd.s32 $0xFFFFFD80  }
0x47: {  	_ =	swait.ge [sflag:s16], $0x5000  }
0x48: {  	[sflag:s16] =	ssyncset.done $0x0  }
0x49: {  	[sflag:s16] =	ssyncadd.s32 $0xFFFFB000  }
0x4a: {  	_ =	swait.ge [sflag:s16], $0x5000  }
0x4b: {  	[sflag:s16] =	ssyncset.done $0x0  }
0x4c: {  	p1 =	por $0x1, $0x1;
	[sflag:s16] =	ssyncadd.s32 $0xFFFFB000  }
0x4d: {  	s23 =	simm.s32 @!p1 $0x2;
	[bflag:$0x0] =	sbarrier.arrive $0xFFFF  }
0x4e: {  	[spmem:s2] =	stream.indirect.scatter.add.f32 [tilespmem:s18], [sflag:$0x2], $0x1, s21, s17, $0xb8;
	[tilespmem:$0xFD00] =	vst v63  }
0x4f: {  	_ =	swait.ge @!p1 [sflag:s23], $0x80  }
0x50: {  	s22 =	simm.s32 $0x1;
	[sflag:s23] =	ssyncset.done @!p1 $0x0  }
.LBB2_2:
0x51: {  	[sflag:s23] =	ssyncadd.s32 @!p1 $0xFFFFFF80  }
0x52: {  	s21 =	sadd.s32 $0x80, s21;
	s23 =	smov.u32 s22;
	s22 =	sadd.s32 $0x1, s22  }
0x53: {  	p2 =	sne.s32 s22, $0xA0  }
0x54: {  	[spmem:s2] =	stream.indirect.scatter.add.f32 [tilespmem:s18], [sflag:$0x2], $0x1, s21, s17, $0xb8;
	[tilespmem:$0xFD00] =	vst v63  }
.Ltmp0:
0x55: {  	_ = 	snop;
	(pc) =	sbr.rel @p2 .LBB2_2-.Ltmp0, $4  }
0x56: {  	p1 =	slt.u32 s23, $0x20  }
0x57: {  	s23 =	simm.s32 @!p1 $0x2  }
0x58: {  	_ =	swait.ge @!p1 [sflag:s23], $0x80  }
0x59: {  	[sflag:s23] =	ssyncset.done @!p1 $0x0  }
0x5a: {  	[sflag:s23] =	ssyncadd.s32 @!p1 $0xFFFFFF80  }
0x5b: {  	_ =	swait.ge [sflag:s19], $0x80  }
0x5c: {  	[sflag:s19] =	ssyncset.done $0x0  }
0x5d: {  	[sflag:s19] =	ssyncadd.s32 $0xFFFFFF80  }
0x5e: {  	_ =	swait.ge [sflag:s19], $0x80  }
0x5f: {  	[sflag:s19] =	ssyncset.done $0x0  }
0x60: {  	[sflag:s19] =	ssyncadd.s32 $0xFFFFFF80  }
0x61: {  	_ =	swait.ge [sflag:s19], $0x80  }
0x62: {  	[sflag:s19] =	ssyncset.done $0x0  }
0x63: {  	[sflag:s19] =	ssyncadd.s32 $0xFFFFFF80  }
0x64: {  	_ =	swait.ge [sflag:s19], $0x80  }
0x65: {  	[sflag:s19] =	ssyncset.done $0x0  }
0x66: {  	[sflag:s19] =	ssyncadd.s32 $0xFFFFFF80  }
0x67: {  	_ =	swait.ge [sflag:s19], $0x80  }
0x68: {  	[sflag:s19] =	ssyncset.done $0x0  }
0x69: {  	[sflag:s19] =	ssyncadd.s32 $0xFFFFFF80  }
0x6a: {  	_ =	swait.ge [sflag:s19], $0x80  }
0x6b: {  	[sflag:s19] =	ssyncset.done $0x0  }
0x6c: {  	[sflag:s19] =	ssyncadd.s32 $0xFFFFFF80  }
0x6d: {  	_ =	swait.ge [sflag:s19], $0x80  }
0x6e: {  	[sflag:s19] =	ssyncset.done $0x0  }
0x6f: {  	[sflag:s19] =	ssyncadd.s32 $0xFFFFFF80  }
0x70: {  	_ =	swait.ge [sflag:s19], $0x80  }
0x71: {  	[sflag:s19] =	ssyncset.done $0x0  }
0x72: {  	[sflag:s19] =	ssyncadd.s32 $0xFFFFFF80  }
0x73: {  	_ =	swait.ge [sflag:s19], $0x80  }
0x74: {  	[sflag:s19] =	ssyncset.done $0x0  }
0x75: {  	[sflag:s19] =	ssyncadd.s32 $0xFFFFFF80  }
0x76: {  	_ =	swait.ge [sflag:s19], $0x80  }
0x77: {  	[sflag:s19] =	ssyncset.done $0x0  }
0x78: {  	[sflag:s19] =	ssyncadd.s32 $0xFFFFFF80  }
0x79: {  	_ =	swait.ge [sflag:s19], $0x80  }
0x7a: {  	[sflag:s19] =	ssyncset.done $0x0  }
0x7b: {  	[sflag:s19] =	ssyncadd.s32 $0xFFFFFF80  }
0x7c: {  	_ =	swait.ge [sflag:s19], $0x80  }
0x7d: {  	[sflag:s19] =	ssyncset.done $0x0  }
0x7e: {  	[sflag:s19] =	ssyncadd.s32 $0xFFFFFF80  }
0x7f: {  	_ =	swait.ge [sflag:s19], $0x80  }
0x80: {  	[sflag:s19] =	ssyncset.done $0x0  }
0x81: {  	[sflag:s19] =	ssyncadd.s32 $0xFFFFFF80  }
0x82: {  	_ =	swait.ge [sflag:s19], $0x80  }
0x83: {  	[sflag:s19] =	ssyncset.done $0x0  }
0x84: {  	[sflag:s19] =	ssyncadd.s32 $0xFFFFFF80  }
0x85: {  	_ =	swait.ge [sflag:s19], $0x80  }
0x86: {  	[sflag:s19] =	ssyncset.done $0x0  }
0x87: {  	[sflag:s19] =	ssyncadd.s32 $0xFFFFFF80  }
0x88: {  	_ =	swait.ge [sflag:s19], $0x80  }
0x89: {  	[sflag:s19] =	ssyncset.done $0x0  }
0x8a: {  	[sflag:s19] =	ssyncadd.s32 $0xFFFFFF80  }
0x8b: {  	_ =	swait.ge [sflag:s19], $0x80  }
0x8c: {  	[sflag:s19] =	ssyncset.done $0x0  }
0x8d: {  	[sflag:s19] =	ssyncadd.s32 $0xFFFFFF80  }
0x8e: {  	_ =	swait.ge [sflag:s19], $0x80  }
0x8f: {  	[sflag:s19] =	ssyncset.done $0x0  }
0x90: {  	[sflag:s19] =	ssyncadd.s32 $0xFFFFFF80  }
0x91: {  	_ =	swait.ge [sflag:s19], $0x80  }
0x92: {  	[sflag:s19] =	ssyncset.done $0x0  }
0x93: {  	[sflag:s19] =	ssyncadd.s32 $0xFFFFFF80  }
0x94: {  	_ =	swait.ge [sflag:s19], $0x80  }
0x95: {  	[sflag:s19] =	ssyncset.done $0x0  }
0x96: {  	[sflag:s19] =	ssyncadd.s32 $0xFFFFFF80  }
0x97: {  	_ =	swait.ge [sflag:s19], $0x80  }
0x98: {  	[sflag:s19] =	ssyncset.done $0x0  }
0x99: {  	[sflag:s19] =	ssyncadd.s32 $0xFFFFFF80  }
0x9a: {  	_ =	swait.ge [sflag:s19], $0x80  }
0x9b: {  	[sflag:s19] =	ssyncset.done $0x0  }
0x9c: {  	[sflag:s19] =	ssyncadd.s32 $0xFFFFFF80  }
0x9d: {  	_ =	swait.ge [sflag:s19], $0x80  }
0x9e: {  	[sflag:s19] =	ssyncset.done $0x0  }
0x9f: {  	[sflag:s19] =	ssyncadd.s32 $0xFFFFFF80  }
0xa0: {  	_ =	swait.ge [sflag:s19], $0x80  }
0xa1: {  	[sflag:s19] =	ssyncset.done $0x0  }
0xa2: {  	[sflag:s19] =	ssyncadd.s32 $0xFFFFFF80  }
0xa3: {  	_ =	swait.ge [sflag:s19], $0x80  }
0xa4: {  	[sflag:s19] =	ssyncset.done $0x0  }
0xa5: {  	[sflag:s19] =	ssyncadd.s32 $0xFFFFFF80  }
0xa6: {  	_ =	swait.ge [sflag:s19], $0x80  }
0xa7: {  	[sflag:s19] =	ssyncset.done $0x0  }
0xa8: {  	[sflag:s19] =	ssyncadd.s32 $0xFFFFFF80  }
0xa9: {  	_ =	swait.ge [sflag:s19], $0x80  }
0xaa: {  	[sflag:s19] =	ssyncset.done $0x0  }
0xab: {  	[sflag:s19] =	ssyncadd.s32 $0xFFFFFF80  }
0xac: {  	_ =	swait.ge [sflag:s19], $0x80  }
0xad: {  	[sflag:s19] =	ssyncset.done $0x0  }
0xae: {  	[sflag:s19] =	ssyncadd.s32 $0xFFFFFF80  }
0xaf: {  	_ =	swait.ge [sflag:s19], $0x80  }
0xb0: {  	[sflag:s19] =	ssyncset.done $0x0  }
0xb1: {  	[sflag:s19] =	ssyncadd.s32 $0xFFFFFF80  }
0xb2: {  	_ =	swait.ge [sflag:s19], $0x80  }
0xb3: {  	[sflag:s19] =	ssyncset.done $0x0  }
0xb4: {  	[sflag:s19] =	ssyncadd.s32 $0xFFFFFF80  }
0xb5: {  	_ =	swait.ge [sflag:s19], $0x80  }
0xb6: {  	[sflag:s19] =	ssyncset.done $0x0  }
0xb7: {  	[sflag:s19] =	ssyncadd.s32 $0xFFFFFF80  }
0xb8: {  	_ =	swait.ge [sflag:s19], $0x80  }
0xb9: {  	[sflag:s19] =	ssyncset.done $0x0  }
0xba: {  	[sflag:s19] =	ssyncadd.s32 $0xFFFFFF80  }
0xbb: {  	[bflag:$0x0] =	sbarrier.arrive $0xFFFF  }
0xbc: {  	[tilespmem:s14], [sflag:$0x3] =	stream.linear.gather [spmem:s8], $0x280, $0x38;
	[tilespmem:$0xFD00] =	vst v63  }
0xbd: {  	_ =	swait.ge [sflag:s15], $0x280  }
0xbe: {  	[sflag:s15] =	ssyncset.done $0x0  }
0xbf: {  	s22 =	simm.s32 $0x0;
	[sflag:s15] =	ssyncadd.s32 $0xFFFFFD80  }
0xc0: {  	v1 =	vld [tilespmem:s22+$0xF000];
	_ =	sdelay $0x4  }
0xc1: {  	s21 =	simm.s32 $0x10;
	v2 =	vshrl.u32 v1, $0x1;
	v7 =	vmul.f32 $5.000000000e-01, v1  }
0xc2: {  	v1 =	vld [tilespmem:s21+$0xF000];
	v2 =	vsub.s32 $0x5F3759DF, v2  }
0xc3: {  	v3 =	vmul.f32 v2, v7;
	_ =	sdelay $0x1  }
0xc4: {  	v3 =	vmul.f32 v2, v3  }
0xc5: {  	s23 =	simm.s32 $0x20  }
0xc6: {  	v5 =	vld [tilespmem:s23+$0xF000];
	v4 =	vshrl.u32 v1, $0x1;
	v1 =	vmul.f32 $5.000000000e-01, v1;
	v3 =	vsub.f32 $1.500000000e+00, v3  }
0xc7: {  	v4 =	vsub.s32 $0x5F3759DF, v4  }
0xc8: {  	v6 =	vmul.f32 v4, v1;
	v2 =	vmul.f32 v2, v3;
	_ =	sdelay $0x1  }
0xc9: {  	v6 =	vmul.f32 v4, v6;
	v8 =	vmul.f32 v2, v7  }
0xca: {  	s24 =	simm.s32 $0x30;
	v9 =	vshrl.u32 v5, $0x1;
	v3 =	vmul.f32 $5.000000000e-01, v5  }
0xcb: {  	v10 =	vld [tilespmem:s24+$0xF000];
	v5 =	vsub.f32 $1.500000000e+00, v6;
	v6 =	vmul.f32 v8, v2;
	v8 =	vsub.s32 $0x5F3759DF, v9  }
0xcc: {  	v9 =	vmul.f32 v8, v3  }
0xcd: {  	v5 =	vmul.f32 v4, v5;
	v4 =	vsub.f32 $1.500000000e+00, v6  }
0xce: {  	v6 =	vmul.f32 v8, v9  }
0xcf: {  	v9 =	vmul.f32 v5, v1;
	v2 =	vmul.f32 v4, v2  }
0xd0: {  	v11 =	vshrl.u32 v10, $0x1;
	v4 =	vmul.f32 $5.000000000e-01, v10  }
0xd1: {  	v10 =	vsub.f32 $1.500000000e+00, v6;
	v12 =	vmul.f32 v9, v5;
	v9 =	vmul.f32 v2, v7  }
0xd2: {  	s25 =	simm.s32 $0x40  }
0xd3: {  	v7 =	vmul.f32 v8, v10;
	v8 =	vmul.f32 v9, v2;
	v9 =	vld [tilespmem:s25+$0xF000]  }
0xd4: {  	v6 =	vsub.s32 $0x5F3759DF, v11  }
0xd5: {  	v11 =	vmul.f32 v6, v4  }
0xd6: {  	v10 =	vsub.f32 $1.500000000e+00, v12  }
0xd7: {  	s26 =	simm.s32 $0x140;
	v12 =	vmul.f32 v6, v11;
	v11 =	vmul.f32 v7, v3  }
.LBB2_4:
0xd8: {  	s28 =	sshra.s32 s26, $0x2;
	v13 =	vshrl.u32 v9, $0x1;
	v10 =	vmul.f32 v10, v5;
	v8 =	vsub.f32 $1.500000000e+00, v8;
	v5 =	vmovc v7;
	p1 =	sne.s32 s26, $0x9C0  }
.Ltmp1:
0xd9: {  	v14 =	vmul.f32 $5.000000000e-01, v9;
	v9 =	vld [tilespmem:s28+$0xF000];
	v7 =	vsub.f32 $1.500000000e+00, v12;
	v11 =	vmul.f32 v11, v5;
	(pc) =	sbr.rel @p1 .LBB2_4-.Ltmp1, $4  }
0xda: {  	s26 =	sadd.s32 $0x40, s26;
	v12 =	vsub.s32 $0x5F3759DF, v13;
	v13 =	vmul.f32 v10, v1;
	v15 =	vmul.f32 v8, v2;
	v2 =	vmovc v10;
	v1 =	vmovc v3  }
0xdb: {  	v16 =	vmul.f32 v12, v14;
	v3 =	vmovc v4;
	v4 =	vmovc v14;
	v7 =	vmul.f32 v6, v7;
	v6 =	vmov v12  }
0xdc: {  	v10 =	vsub.f32 $1.500000000e+00, v11;
	v8 =	vmul.f32 v13, v2;
	[tilespmem:s22+$0xF280] =	vst v15;
	s22 =	smov.u32 s21;
	s21 =	smov.u32 s23;
	s23 =	smov.u32 s24  }
0xdd: {  	v12 =	vmul.f32 v6, v16;
	s24 =	smov.u32 s25;
	s25 =	smov.u32 s28;
	v11 =	vmul.f32 v7, v3  }
0xde: {  	v13 =	vshrl.u32 v9, $0x1;
	v55 =	vmul.f32 $5.000000000e-01, v9  }
0xdf: {  	v13 =	vsub.s32 $0x5F3759DF, v13  }
0xe0: {  	v14 =	vmul.f32 v13, v55;
	_ =	sdelay $0x1  }
0xe1: {  	v14 =	vmul.f32 v13, v14  }
0xe2: {  	v12 =	vsub.f32 $1.500000000e+00, v12  }
0xe3: {  	v14 =	vsub.f32 $1.500000000e+00, v14  }
0xe4: {  	v6 =	vmul.f32 v6, v12  }
0xe5: {  	v56 =	vmul.f32 v13, v14  }
0xe6: {  	v57 =	vmul.f32 v6, v4  }
0xe7: {  	v11 =	vmul.f32 v11, v7;
	v14 =	vmul.f32 v56, v55  }
0xe8: {  	v13 =	vmul.f32 v57, v6  }
0xe9: {  	v11 =	vsub.f32 $1.500000000e+00, v11;
	v14 =	vmul.f32 v14, v56  }
0xea: {  	v5 =	vmul.f32 v10, v5;
	v58 =	vsub.f32 $1.500000000e+00, v13  }
0xeb: {  	v59 =	vmul.f32 v11, v7;
	v60 =	vsub.f32 $1.500000000e+00, v14  }
0xec: {  	v1 =	vmul.f32 v5, v1;
	v6 =	vmul.f32 v58, v6  }
0xed: {  	v3 =	vmul.f32 v59, v3;
	v61 =	vmul.f32 v60, v56  }
0xee: {  	v1 =	vmul.f32 v1, v5;
	v62 =	vmul.f32 v6, v4  }
0xef: {  	v8 =	vsub.f32 $1.500000000e+00, v8;
	v3 =	vmul.f32 v3, v59;
	v9 =	vmul.f32 v61, v55  }
0xf0: {  	v1 =	vsub.f32 $1.500000000e+00, v1;
	v4 =	vmul.f32 v62, v6  }
0xf1: {  	v2 =	vmul.f32 v8, v2;
	v3 =	vsub.f32 $1.500000000e+00, v3;
	v63 =	vmul.f32 v9, v61  }
0xf2: {  	v1 =	vmul.f32 v1, v5;
	v4 =	vsub.f32 $1.500000000e+00, v4  }
0xf3: {  	[tilespmem:s22+$0xF280] =	vst v2;
	v2 =	vmul.f32 v3, v59;
	v3 =	vsub.f32 $1.500000000e+00, v63  }
0xf4: {  	[tilespmem:s21+$0xF280] =	vst v1;
	v1 =	vmul.f32 v4, v6  }
0xf5: {  	[tilespmem:s23+$0xF280] =	vst v2;
	v2 =	vmul.f32 v3, v61  }
0xf6: {  	[tilespmem:s24+$0xF280] =	vst v1  }
0xf7: {  	s31 =	simm.s32 $0x0;
	[tilespmem:s25+$0xF280] =	vst v2  }
0xf8: {  	[tilespmem:s14], [sflag:$0x3] =	stream.linear.gather [hbm4b:s9+s31], $0x280, $0x38;
	[tilespmem:$0xFD00] =	vst v63  }
0xf9: {  	_ =	swait.ge [sflag:s15], $0x280  }
0xfa: {  	[sflag:s15] =	ssyncset.done $0x0  }
0xfb: {  	s21 =	simm.s32 $0x0;
	[sflag:s15] =	ssyncadd.s32 $0xFFFFFD80  }
0xfc: {  	s22 =	simm.s32 $0x40;
	v1 =	vld [tilespmem:s21+$0xF280]  }
.LBB2_6:
0xfd: {  	p1 =	sne.s32 s22, $0x9C0;
	v2 =	vld [tilespmem:s21+$0xF000];
	_ =	sdelay $0x2  }
.Ltmp2:
0xfe: {  	(pc) =	sbr.rel @p1 .LBB2_6-.Ltmp2, $4  }
0xff: {  	_ = 	snop  }
0x100: {  	v2 =	vmul.f32 v1, v2  }
0x101: {  	s23 =	sshra.s32 s22, $0x2  }
0x102: {  	s22 =	sadd.s32 $0x40, s22;
	v1 =	vld [tilespmem:s23+$0xF280];
	[tilespmem:s21+$0xF000] =	vst v2;
	s21 =	smov.u32 s23  }
0x103: {  	v2 =	vld [tilespmem:s21+$0xF000];
	_ =	sdelay $0x4  }
0x104: {  	v1 =	vmul.f32 v1, v2;
	_ =	sdelay $0x1  }
0x105: {  	[tilespmem:s21+$0xF000] =	vst v1  }
0x106: {  	[spmem:s10] =	stream.linear.scatter [tilespmem:s14], [sflag:$0x3], $0x280, $0x38;
	[tilespmem:$0xFD00] =	vst v63  }
0x107: {  	_ =	swait.ge [sflag:s15], $0x280  }
0x108: {  	[sflag:s15] =	ssyncset.done $0x0  }
0x109: {  	[sflag:s15] =	ssyncadd.s32 $0xFFFFFD80  }
0x10a: {  	[spmem:s11] =	stream.linear.scatter [tilespmem:s14], [sflag:$0x3], $0x280, $0x38;
	[tilespmem:$0xFD00] =	vst v63  }
0x10b: {  	_ =	swait.ge [sflag:s15], $0x280  }
0x10c: {  	[sflag:s15] =	ssyncset.done $0x0  }
0x10d: {  	s31 =	simm.s32 $0x0;
	[sflag:s15] =	ssyncadd.s32 $0xFFFFFD80  }
0x10e: {  	s22 =	simm.s32 $0xA000;
	p2 =	por $0x1, $0x1;
	[bflag:$0x0] =	sbarrier.arrive $0xFFFF  }
0x10f: {  	[tilespmem:s22], [sflag:$0x1] =	stream.indirect.gather [spmem:s3], $0x1, s31, s17, $0xb8;
	[tilespmem:$0xFD00] =	vst v63  }
0x110: {  	p1 =	por @!p2 $0x1, $0x1;
	s22 =	simm.s32 @!p2 $0x1  }
0x111: {  	s23 =	simm.s32 $0x4000;
	p1 =	por p1, p2;
	_ =	swait.ge @!p2 [sflag:s22], $0x80  }
0x112: {  	s24 =	simm.s32 @!p2 $0x80;
	s25 =	simm.s32 @!p1 $0x2;
	[sflag:s22] =	ssyncset.done @!p2 $0x0  }
0x113: {  	s21 =	simm.s32 $0x9000;
	[sflag:s22] =	ssyncadd.s32 @!p2 $0xFFFFFF80;
	s22 =	simm.s32 $0x1  }
0x114: {  	[spmem:s4] =	stream.indirect.scatter.add.f32 @!p2 [tilespmem:s21], [sflag:$0x2], $0x1, s23, s24, $0xb8;
	[tilespmem:$0xFD00] =	vst v63  }
0x115: {  	s23 =	simm.s32 $0x4080;
	s24 =	simm.s32 $0x80;
	_ =	swait.ge @!p1 [sflag:s25], $0x80  }
.LBB2_8:
0x116: {  	[sflag:s25] =	ssyncset.done @!p1 $0x0  }
0x117: {  	s21 =	sadd.s32 $0x80, s21;
	s26 =	smov.u32 s22;
	s22 =	sadd.s32 $0x1, s22  }
0x118: {  	s28 =	sadd.s32 $0x1000, s21;
	p2 =	slt.u32 s26, $0x20;
	[sflag:s25] =	ssyncadd.s32 @!p1 $0xFFFFFF80  }
0x119: {  	[tilespmem:s28], [sflag:$0x1] =	stream.indirect.gather [spmem:s3], $0x1, s24, s17, $0xb8;
	[tilespmem:$0xFD00] =	vst v63  }
0x11a: {  	p3 =	sne.s32 s22, $0xA0;
	s25 =	simm.s32 @!p2 $0x1;
	p1 =	slt.u32 @!p2 s26, $0x40  }
.Ltmp3:
0x11b: {  	_ =	swait.ge @!p2 [sflag:s25], $0x80;
	(pc) =	sbr.rel @p3 .LBB2_8-.Ltmp3, $4  }
0x11c: {  	s26 =	simm.s32 @!p2 $0x80;
	p1 =	por p1, p2;
	[sflag:s25] =	ssyncset.done @!p2 $0x0  }
0x11d: {  	[sflag:s25] =	ssyncadd.s32 @!p2 $0xFFFFFF80;
	s25 =	simm.s32 @!p1 $0x2  }
0x11e: {  	[spmem:s4] =	stream.indirect.scatter.add.f32 @!p2 [tilespmem:s21], [sflag:$0x2], $0x1, s23, s26, $0xb8;
	[tilespmem:$0xFD00] =	vst v63  }
0x11f: {  	s24 =	sadd.s32 $0x80, s24;
	s23 =	sadd.s32 $0x80, s23;
	_ =	swait.ge @!p1 [sflag:s25], $0x80  }
0x120: {  	[sflag:s25] =	ssyncset.done @!p1 $0x0  }
0x121: {  	[sflag:s25] =	ssyncadd.s32 @!p1 $0xFFFFFF80  }
0x122: {  	_ =	swait.ge [sflag:s16], $0x80  }
0x123: {  	s21 =	simm.s32 $0x200;
	[sflag:s16] =	ssyncset.done $0x0  }
0x124: {  	s22 =	simm.s32 $0xE000;
	s23 =	simm.s32 $0x9000;
	[sflag:s16] =	ssyncadd.s32 $0xFFFFFF80  }
.LBB2_10:
0x125: {  	[spmem:s4] =	stream.indirect.scatter.add.f32 [tilespmem:s22], [sflag:$0x2], $0x1, s23, s17, $0xb8;
	[tilespmem:$0xFD00] =	vst v63  }
0x126: {  	s22 =	smov.u32 s21;
	p1 =	sne.s32 s21, $0x3E00  }
.Ltmp4:
0x127: {  	s21 =	sadd.s32 $0x200, s21;
	(pc) =	sbr.rel @p1 .LBB2_10-.Ltmp4, $4  }
0x128: {  	_ = 	snop  }
0x129: {  	_ =	swait.ge [sflag:s16], $0x80  }
0x12a: {  	s23 =	sshra.s32 s22, $0x2;
	[sflag:s16] =	ssyncset.done $0x0  }
0x12b: {  	s22 =	sadd.s32 $0xE000, s23;
	s23 =	sadd.s32 $0x9000, s23;
	[sflag:s16] =	ssyncadd.s32 $0xFFFFFF80  }
0x12c: {  	[spmem:s4] =	stream.indirect.scatter.add.f32 [tilespmem:s22], [sflag:$0x2], $0x1, s23, s17, $0xb8;
	[tilespmem:$0xFD00] =	vst v63  }
0x12d: {  	_ =	swait.ge [sflag:s19], $0x80  }
0x12e: {  	s21 =	simm.s32 $0x3F;
	[sflag:s19] =	ssyncset.done $0x0  }
.LBB2_12:
0x12f: {  	p1 =	sne.s32 s21, $0x1;
	s21 =	sadd.s32 $0xFFFFFFFF, s21;
	[sflag:s19] =	ssyncadd.s32 $0xFFFFFF80  }
.Ltmp5:
0x130: {  	(pc) =	sbr.rel @p1 .LBB2_12-.Ltmp5, $3  }
0x131: {  	_ =	sdelay $0x1  }
0x132: {  	_ =	swait.ge [sflag:s19], $0x80  }
0x133: {  	[sflag:s19] =	ssyncset.done $0x0  }
0x134: {  	[sflag:s19] =	ssyncadd.s32 $0xFFFFFF80  }
0x135: {  	[bflag:$0x0] =	sbarrier.arrive $0xFFFF  }
0x136: {  	[tilespmem:s14], [sflag:$0x3] =	stream.linear.gather [spmem:s11], $0x280, $0x38;
	[tilespmem:$0xFD00] =	vst v63  }
0x137: {  	_ =	swait.ge [sflag:s15], $0x280  }
0x138: {  	[sflag:s15] =	ssyncset.done $0x0  }
0x139: {  	s21 =	simm.s32 $0x0;
	[sflag:s15] =	ssyncadd.s32 $0xFFFFFD80  }
0x13a: {  	s22 =	simm.s32 $0x40;
	v1 =	vld [tilespmem:s21+$0xF280]  }
.LBB2_14:
0x13b: {  	p1 =	sne.s32 s22, $0x9C0;
	v2 =	vld [tilespmem:s21+$0xF000];
	_ =	sdelay $0x4  }
.Ltmp6:
0x13c: {  	v2 =	vmul.f32 v2, v1;
	(pc) =	sbr.rel @p1 .LBB2_14-.Ltmp6, $4  }
0x13d: {  	_ = 	snop  }
0x13e: {  	v2 =	vmul.f32 v2, v1  }
0x13f: {  	s23 =	sshra.s32 s22, $0x2  }
0x140: {  	s22 =	sadd.s32 $0x40, s22;
	v1 =	vld [tilespmem:s23+$0xF280];
	[tilespmem:s21+$0xF000] =	vst v2;
	s21 =	smov.u32 s23  }
0x141: {  	v2 =	vld [tilespmem:s21+$0xF000];
	_ =	sdelay $0x4  }
0x142: {  	v2 =	vmul.f32 v2, v1;
	_ =	sdelay $0x1  }
0x143: {  	v1 =	vmul.f32 v2, v1;
	_ =	sdelay $0x1  }
0x144: {  	[tilespmem:s21+$0xF000] =	vst v1  }
0x145: {  	[spmem:s11] =	stream.linear.scatter [tilespmem:s14], [sflag:$0x3], $0x280, $0x38;
	[tilespmem:$0xFD00] =	vst v63  }
0x146: {  	_ =	swait.ge [sflag:s15], $0x280  }
0x147: {  	[sflag:s15] =	ssyncset.done $0x0  }
0x148: {  	[sflag:s15] =	ssyncadd.s32 $0xFFFFFD80  }
0x149: {  	[spmem:s10] =	stream.linear.scatter [tilespmem:s14], [sflag:$0x3], $0x280, $0x38;
	[tilespmem:$0xFD00] =	vst v63  }
0x14a: {  	_ =	swait.ge [sflag:s15], $0x280  }
0x14b: {  	[sflag:s15] =	ssyncset.done $0x0  }
0x14c: {  	s31 =	simm.s32 $0x0;
	[sflag:s15] =	ssyncadd.s32 $0xFFFFFD80  }
0x14d: {  	s22 =	simm.s32 $0xA000;
	p2 =	por $0x1, $0x1;
	[bflag:$0x0] =	sbarrier.arrive $0xFFFF  }
0x14e: {  	[tilespmem:s22], [sflag:$0x1] =	stream.indirect.gather [spmem:s4], $0x1, s31, s17, $0xb8;
	[tilespmem:$0xFD00] =	vst v63  }
0x14f: {  	p1 =	por @!p2 $0x1, $0x1;
	s22 =	simm.s32 @!p2 $0x1  }
0x150: {  	s23 =	simm.s32 $0x4000;
	p1 =	por p1, p2;
	_ =	swait.ge @!p2 [sflag:s22], $0x80  }
0x151: {  	s24 =	simm.s32 @!p2 $0x80;
	s25 =	simm.s32 @!p1 $0x2;
	[sflag:s22] =	ssyncset.done @!p2 $0x0  }
0x152: {  	s21 =	simm.s32 $0x9000;
	[sflag:s22] =	ssyncadd.s32 @!p2 $0xFFFFFF80;
	s22 =	simm.s32 $0x1  }
0x153: {  	[spmem:s3] =	stream.indirect.scatter.add.f32 @!p2 [tilespmem:s21], [sflag:$0x2], $0x1, s23, s24, $0xb8;
	[tilespmem:$0xFD00] =	vst v63  }
0x154: {  	s23 =	simm.s32 $0x4080;
	s24 =	simm.s32 $0x80;
	_ =	swait.ge @!p1 [sflag:s25], $0x80  }
.LBB2_16:
0x155: {  	[sflag:s25] =	ssyncset.done @!p1 $0x0  }
0x156: {  	s21 =	sadd.s32 $0x80, s21;
	s26 =	smov.u32 s22;
	s22 =	sadd.s32 $0x1, s22  }
0x157: {  	s28 =	sadd.s32 $0x1000, s21;
	p2 =	slt.u32 s26, $0x20;
	[sflag:s25] =	ssyncadd.s32 @!p1 $0xFFFFFF80  }
0x158: {  	[tilespmem:s28], [sflag:$0x1] =	stream.indirect.gather [spmem:s4], $0x1, s24, s17, $0xb8;
	[tilespmem:$0xFD00] =	vst v63  }
0x159: {  	p3 =	sne.s32 s22, $0xA0;
	s25 =	simm.s32 @!p2 $0x1;
	p1 =	slt.u32 @!p2 s26, $0x40  }
.Ltmp7:
0x15a: {  	_ =	swait.ge @!p2 [sflag:s25], $0x80;
	(pc) =	sbr.rel @p3 .LBB2_16-.Ltmp7, $4  }
0x15b: {  	s26 =	simm.s32 @!p2 $0x80;
	p1 =	por p1, p2;
	[sflag:s25] =	ssyncset.done @!p2 $0x0  }
0x15c: {  	[sflag:s25] =	ssyncadd.s32 @!p2 $0xFFFFFF80;
	s25 =	simm.s32 @!p1 $0x2  }
0x15d: {  	[spmem:s3] =	stream.indirect.scatter.add.f32 @!p2 [tilespmem:s21], [sflag:$0x2], $0x1, s23, s26, $0xb8;
	[tilespmem:$0xFD00] =	vst v63  }
0x15e: {  	s24 =	sadd.s32 $0x80, s24;
	s23 =	sadd.s32 $0x80, s23;
	_ =	swait.ge @!p1 [sflag:s25], $0x80  }
0x15f: {  	[sflag:s25] =	ssyncset.done @!p1 $0x0  }
0x160: {  	[sflag:s25] =	ssyncadd.s32 @!p1 $0xFFFFFF80  }
0x161: {  	_ =	swait.ge [sflag:s16], $0x80  }
0x162: {  	s21 =	simm.s32 $0x200;
	[sflag:s16] =	ssyncset.done $0x0  }
0x163: {  	s22 =	simm.s32 $0xE000;
	s23 =	simm.s32 $0x9000;
	[sflag:s16] =	ssyncadd.s32 $0xFFFFFF80  }
.LBB2_18:
0x164: {  	[spmem:s3] =	stream.indirect.scatter.add.f32 [tilespmem:s22], [sflag:$0x2], $0x1, s23, s17, $0xb8;
	[tilespmem:$0xFD00] =	vst v63  }
0x165: {  	s22 =	smov.u32 s21;
	p1 =	sne.s32 s21, $0x3E00  }
.Ltmp8:
0x166: {  	s21 =	sadd.s32 $0x200, s21;
	(pc) =	sbr.rel @p1 .LBB2_18-.Ltmp8, $4  }
0x167: {  	_ = 	snop  }
0x168: {  	_ =	swait.ge [sflag:s16], $0x80  }
0x169: {  	s23 =	sshra.s32 s22, $0x2;
	[sflag:s16] =	ssyncset.done $0x0  }
0x16a: {  	s22 =	sadd.s32 $0xE000, s23;
	s23 =	sadd.s32 $0x9000, s23;
	[sflag:s16] =	ssyncadd.s32 $0xFFFFFF80  }
0x16b: {  	[spmem:s3] =	stream.indirect.scatter.add.f32 [tilespmem:s22], [sflag:$0x2], $0x1, s23, s17, $0xb8;
	[tilespmem:$0xFD00] =	vst v63  }
0x16c: {  	_ =	swait.ge [sflag:s19], $0x80  }
0x16d: {  	s21 =	simm.s32 $0x3F;
	[sflag:s19] =	ssyncset.done $0x0  }
.LBB2_20:
0x16e: {  	p1 =	sne.s32 s21, $0x1;
	s21 =	sadd.s32 $0xFFFFFFFF, s21;
	[sflag:s19] =	ssyncadd.s32 $0xFFFFFF80  }
.Ltmp9:
0x16f: {  	(pc) =	sbr.rel @p1 .LBB2_20-.Ltmp9, $3  }
0x170: {  	_ =	sdelay $0x1  }
0x171: {  	_ =	swait.ge [sflag:s19], $0x80  }
0x172: {  	[sflag:s19] =	ssyncset.done $0x0  }
0x173: {  	[sflag:s19] =	ssyncadd.s32 $0xFFFFFF80  }
0x174: {  	[bflag:$0x0] =	sbarrier.arrive $0xFFFF  }
0x175: {  	[tilespmem:s14], [sflag:$0x3] =	stream.linear.gather [spmem:s10], $0x280, $0x38;
	[tilespmem:$0xFD00] =	vst v63  }
0x176: {  	_ =	swait.ge [sflag:s15], $0x280  }
0x177: {  	[sflag:s15] =	ssyncset.done $0x0  }
0x178: {  	s21 =	simm.s32 $0x0;
	[sflag:s15] =	ssyncadd.s32 $0xFFFFFD80  }
0x179: {  	s22 =	simm.s32 $0x40;
	v1 =	vld [tilespmem:s21+$0xF280]  }
.LBB2_22:
0x17a: {  	p1 =	sne.s32 s22, $0x9C0;
	v2 =	vld [tilespmem:s21+$0xF000];
	_ =	sdelay $0x4  }
.Ltmp10:
0x17b: {  	v2 =	vmul.f32 v2, v1;
	(pc) =	sbr.rel @p1 .LBB2_22-.Ltmp10, $4  }
0x17c: {  	_ = 	snop  }
0x17d: {  	v2 =	vmul.f32 v2, v1  }
0x17e: {  	s23 =	sshra.s32 s22, $0x2  }
0x17f: {  	s22 =	sadd.s32 $0x40, s22;
	v1 =	vld [tilespmem:s23+$0xF280];
	[tilespmem:s21+$0xF000] =	vst v2;
	s21 =	smov.u32 s23  }
0x180: {  	v2 =	vld [tilespmem:s21+$0xF000];
	_ =	sdelay $0x4  }
0x181: {  	v2 =	vmul.f32 v2, v1;
	_ =	sdelay $0x1  }
0x182: {  	v1 =	vmul.f32 v2, v1;
	_ =	sdelay $0x1  }
0x183: {  	[tilespmem:s21+$0xF000] =	vst v1  }
0x184: {  	[spmem:s10] =	stream.linear.scatter [tilespmem:s14], [sflag:$0x3], $0x280, $0x38;
	[tilespmem:$0xFD00] =	vst v63  }
0x185: {  	_ =	swait.ge [sflag:s15], $0x280  }
0x186: {  	[sflag:s15] =	ssyncset.done $0x0  }
0x187: {  	[sflag:s15] =	ssyncadd.s32 $0xFFFFFD80  }
0x188: {  	[spmem:s11] =	stream.linear.scatter [tilespmem:s14], [sflag:$0x3], $0x280, $0x38;
	[tilespmem:$0xFD00] =	vst v63  }
0x189: {  	_ =	swait.ge [sflag:s15], $0x280  }
0x18a: {  	[sflag:s15] =	ssyncset.done $0x0  }
0x18b: {  	s31 =	simm.s32 $0x0;
	[sflag:s15] =	ssyncadd.s32 $0xFFFFFD80  }
0x18c: {  	s22 =	simm.s32 $0xA000;
	p2 =	por $0x1, $0x1;
	[bflag:$0x0] =	sbarrier.arrive $0xFFFF  }
0x18d: {  	[tilespmem:s22], [sflag:$0x1] =	stream.indirect.gather [spmem:s3], $0x1, s31, s17, $0xb8;
	[tilespmem:$0xFD00] =	vst v63  }
0x18e: {  	p1 =	por @!p2 $0x1, $0x1;
	s22 =	simm.s32 @!p2 $0x1  }
0x18f: {  	s23 =	simm.s32 $0x4000;
	p1 =	por p1, p2;
	_ =	swait.ge @!p2 [sflag:s22], $0x80  }
0x190: {  	s24 =	simm.s32 @!p2 $0x80;
	s25 =	simm.s32 @!p1 $0x2;
	[sflag:s22] =	ssyncset.done @!p2 $0x0  }
0x191: {  	s21 =	simm.s32 $0x9000;
	[sflag:s22] =	ssyncadd.s32 @!p2 $0xFFFFFF80;
	s22 =	simm.s32 $0x1  }
0x192: {  	[spmem:s4] =	stream.indirect.scatter.add.f32 @!p2 [tilespmem:s21], [sflag:$0x2], $0x1, s23, s24, $0xb8;
	[tilespmem:$0xFD00] =	vst v63  }
0x193: {  	s23 =	simm.s32 $0x4080;
	s24 =	simm.s32 $0x80;
	_ =	swait.ge @!p1 [sflag:s25], $0x80  }
.LBB2_24:
0x194: {  	[sflag:s25] =	ssyncset.done @!p1 $0x0  }
0x195: {  	s21 =	sadd.s32 $0x80, s21;
	s26 =	smov.u32 s22;
	s22 =	sadd.s32 $0x1, s22  }
0x196: {  	s28 =	sadd.s32 $0x1000, s21;
	p2 =	slt.u32 s26, $0x20;
	[sflag:s25] =	ssyncadd.s32 @!p1 $0xFFFFFF80  }
0x197: {  	[tilespmem:s28], [sflag:$0x1] =	stream.indirect.gather [spmem:s3], $0x1, s24, s17, $0xb8;
	[tilespmem:$0xFD00] =	vst v63  }
0x198: {  	p3 =	sne.s32 s22, $0xA0;
	s25 =	simm.s32 @!p2 $0x1;
	p1 =	slt.u32 @!p2 s26, $0x40  }
.Ltmp11:
0x199: {  	_ =	swait.ge @!p2 [sflag:s25], $0x80;
	(pc) =	sbr.rel @p3 .LBB2_24-.Ltmp11, $4  }
0x19a: {  	s26 =	simm.s32 @!p2 $0x80;
	p1 =	por p1, p2;
	[sflag:s25] =	ssyncset.done @!p2 $0x0  }
0x19b: {  	[sflag:s25] =	ssyncadd.s32 @!p2 $0xFFFFFF80;
	s25 =	simm.s32 @!p1 $0x2  }
0x19c: {  	[spmem:s4] =	stream.indirect.scatter.add.f32 @!p2 [tilespmem:s21], [sflag:$0x2], $0x1, s23, s26, $0xb8;
	[tilespmem:$0xFD00] =	vst v63  }
0x19d: {  	s24 =	sadd.s32 $0x80, s24;
	s23 =	sadd.s32 $0x80, s23;
	_ =	swait.ge @!p1 [sflag:s25], $0x80  }
0x19e: {  	[sflag:s25] =	ssyncset.done @!p1 $0x0  }
0x19f: {  	[sflag:s25] =	ssyncadd.s32 @!p1 $0xFFFFFF80  }
0x1a0: {  	_ =	swait.ge [sflag:s16], $0x80  }
0x1a1: {  	s21 =	simm.s32 $0x200;
	[sflag:s16] =	ssyncset.done $0x0  }
0x1a2: {  	s22 =	simm.s32 $0xE000;
	s23 =	simm.s32 $0x9000;
	[sflag:s16] =	ssyncadd.s32 $0xFFFFFF80  }
.LBB2_26:
0x1a3: {  	[spmem:s4] =	stream.indirect.scatter.add.f32 [tilespmem:s22], [sflag:$0x2], $0x1, s23, s17, $0xb8;
	[tilespmem:$0xFD00] =	vst v63  }
0x1a4: {  	s22 =	smov.u32 s21;
	p1 =	sne.s32 s21, $0x3E00  }
.Ltmp12:
0x1a5: {  	s21 =	sadd.s32 $0x200, s21;
	(pc) =	sbr.rel @p1 .LBB2_26-.Ltmp12, $4  }
0x1a6: {  	_ = 	snop  }
0x1a7: {  	_ =	swait.ge [sflag:s16], $0x80  }
0x1a8: {  	s23 =	sshra.s32 s22, $0x2;
	[sflag:s16] =	ssyncset.done $0x0  }
0x1a9: {  	s22 =	sadd.s32 $0xE000, s23;
	s23 =	sadd.s32 $0x9000, s23;
	[sflag:s16] =	ssyncadd.s32 $0xFFFFFF80  }
0x1aa: {  	[spmem:s4] =	stream.indirect.scatter.add.f32 [tilespmem:s22], [sflag:$0x2], $0x1, s23, s17, $0xb8;
	[tilespmem:$0xFD00] =	vst v63  }
0x1ab: {  	_ =	swait.ge [sflag:s19], $0x80  }
0x1ac: {  	s21 =	simm.s32 $0x3F;
	[sflag:s19] =	ssyncset.done $0x0  }
.LBB2_28:
0x1ad: {  	p1 =	sne.s32 s21, $0x1;
	s21 =	sadd.s32 $0xFFFFFFFF, s21;
	[sflag:s19] =	ssyncadd.s32 $0xFFFFFF80  }
.Ltmp13:
0x1ae: {  	(pc) =	sbr.rel @p1 .LBB2_28-.Ltmp13, $3  }
0x1af: {  	_ =	sdelay $0x1  }
0x1b0: {  	_ =	swait.ge [sflag:s19], $0x80  }
0x1b1: {  	[sflag:s19] =	ssyncset.done $0x0  }
0x1b2: {  	[sflag:s19] =	ssyncadd.s32 $0xFFFFFF80  }
0x1b3: {  	[bflag:$0x0] =	sbarrier.arrive $0xFFFF  }
0x1b4: {  	[tilespmem:s14], [sflag:$0x3] =	stream.linear.gather [spmem:s11], $0x280, $0x38;
	[tilespmem:$0xFD00] =	vst v63  }
0x1b5: {  	_ =	swait.ge [sflag:s15], $0x280  }
0x1b6: {  	[sflag:s15] =	ssyncset.done $0x0  }
0x1b7: {  	s21 =	simm.s32 $0x0;
	[sflag:s15] =	ssyncadd.s32 $0xFFFFFD80  }
0x1b8: {  	s22 =	simm.s32 $0x40;
	v1 =	vld [tilespmem:s21+$0xF280]  }
.LBB2_30:
0x1b9: {  	p1 =	sne.s32 s22, $0x9C0;
	v2 =	vld [tilespmem:s21+$0xF000];
	_ =	sdelay $0x2  }
.Ltmp14:
0x1ba: {  	(pc) =	sbr.rel @p1 .LBB2_30-.Ltmp14, $4  }
0x1bb: {  	_ = 	snop  }
0x1bc: {  	v2 =	vmul.f32 v2, v1  }
0x1bd: {  	s23 =	sshra.s32 s22, $0x2  }
0x1be: {  	s22 =	sadd.s32 $0x40, s22;
	v1 =	vld [tilespmem:s23+$0xF280];
	[tilespmem:s21+$0xF000] =	vst v2;
	s21 =	smov.u32 s23  }
0x1bf: {  	v2 =	vld [tilespmem:s21+$0xF000];
	_ =	sdelay $0x4  }
0x1c0: {  	v1 =	vmul.f32 v2, v1  }
0x1c1: {  	s20 =	sadd.s32 $0x1, s20  }
0x1c2: {  	s22 =	simm.s32 @!p0 $0xF000;
	p1 =	sne.s32 s20, s13;
	[tilespmem:s21+$0xF000] =	vst v1;
	s21 =	simm.s32 @!p0 $0x0  }
0x1c3: {  	[hbm4b:s12+s21] =	stream.linear.scatter @!p0 [tilespmem:s22], [sflag:$0x3], $0x280, $0x38;
	[tilespmem:$0xFD00] =	vst v63  }
.Ltmp15:
0x1c4: {  	_ = 	snop;
	(pc) =	sbr.rel @p1 .LBB2_1-.Ltmp15, $4  }
0x1c5: {  	s21 =	simm.s32 @!p0 $0x3  }
0x1c6: {  	_ =	swait.ge @!p0 [sflag:s21], $0x280  }
0x1c7: {  	[sflag:s21] =	ssyncset.done @!p0 $0x0  }
0x1c8: {  	[sflag:s21] =	ssyncadd.s32 @!p0 $0xFFFFFD80  }
0x1c9: {  	_ =	sfence.sel $0x180000  }
0x1ca: {  	[bflag:$0x0] =	sbarrier.arrive $0xFFFF  }
0x1cb: {  	p0 =	sne.s32 s1, $0x0;
	_ =	strace $0x90000047  }
0x1cc: {  	s0 =	sadd.s32 @!p0 $0x100000, s0;
	[bflag:$0x2] =	sbarrier.arrive $0xFFFF  }
0x1cd: {  	[sflag:s0] =	ssyncadd.tile.s32 @!p0 $0x1;
	_ =	shalt  }
.Lfunc_end2:
_tile_overlayer_lowered:
.L_overlay_start_2:
0x1ce: {  	(tag) =	ssettag $0x2  }
0x1cf: {  	s0 =	rddreg [dreg:$0x0];
	s2 =	stileid.u32  }
0x1d0: {  	s1 =	rddreg [dreg:$0x1];
	p0 =	sne.s32 s2, $0x0  }
0x1d1: {  	s3 =	rddreg [dreg:$0x2];
	[bflag:$0x3] =	sbarrier.arrive $0xFFFF;
	s2 =	simm.s32 @!p0 $0x1C03  }
0x1d2: {  	[timem:s3], [sflag:s2] =	dma.local @!p0 [hbm:s0], s1  }
0x1d3: {  	s0 =	simm.s32 @!p0 $0x3  }
0x1d4: {  	_ =	swait.ge @!p0 [sflag:s0], s1  }
0x1d5: {  	s1 =	ssub.s32 @!p0 $0x0, s1;
	[sflag:s0] =	ssyncset.done @!p0 $0x0  }
0x1d6: {  	[sflag:s0] =	ssyncadd.s32 @!p0 s1  }
0x1d7: {  	[bflag:$0x3] =	sbarrier.arrive $0xFFFF  }
0x1d8: {  	_ =	shalt  }

</sc_bundles>
